<compile_context>
chip_gen: v7x
topology: tpu7x:2x2x1
jax: 0.10.2.dev20260603
libtpu: 0.0.44.dev20260713+nightly
codegen_flags: <defaults>
</compile_context>

<pallas_src>
import functools

import jax
import jax.numpy as jnp
from jax import lax
from jax.experimental import pallas as pl
from jax.experimental.pallas import tpu as pltpu
from jax.experimental.pallas import tpu_sc as plsc

_NBUF = 4


@functools.cache
def _build(B, D, CH):
    mesh = plsc.VectorSubcoreMesh(core_axis_name="c", subcore_axis_name="s")
    NW = mesh.num_cores * mesh.num_subcores
    b_per_w = B // NW
    n_chunks = b_per_w // CH
    assert n_chunks % _NBUF == 0 and n_chunks >= 2 * _NBUF

    @functools.partial(
        pl.kernel,
        mesh=mesh,
        out_type=jax.ShapeDtypeStruct((B, D), jnp.float32),
        scratch_types=[
            pltpu.VMEM((_NBUF, CH), jnp.int32),
            pltpu.VMEM((_NBUF, CH, D), jnp.float32),
            pltpu.SemaphoreType.DMA((_NBUF,)),
            pltpu.SemaphoreType.DMA((_NBUF,)),
            pltpu.SemaphoreType.DMA((_NBUF,)),
        ],
        compiler_params=pltpu.CompilerParams(use_tc_tiling_on_sc=False),
    )
    def k(idx_hbm, table_hbm, out_hbm, idx_v, rows_v, isem, gsem, wsem):
        c = lax.axis_index("c")
        s = lax.axis_index("s")
        wid = s * mesh.num_cores + c
        base = wid * b_per_w

        def idx_copy(i, b):
            return pltpu.make_async_copy(
                idx_hbm.at[pl.ds(base + i * CH, CH)], idx_v.at[b], isem.at[b]
            )

        def gather_copy(b):
            return pltpu.make_async_copy(
                table_hbm.at[idx_v.at[b]], rows_v.at[b], gsem.at[b]
            )

        def out_copy(i, b):
            return pltpu.make_async_copy(
                rows_v.at[b], out_hbm.at[pl.ds(base + i * CH, CH)], wsem.at[b]
            )

        for b in range(_NBUF):
            idx_copy(b, b).start()

        def body(it, carry):
            g = it * _NBUF
            for b in range(_NBUF):
                i = g + b
                idx_copy(i, b).wait()

                @pl.when(g > 0)
                def _():
                    out_copy(i, b).wait()

                gather_copy(b).start()
            for b in range(_NBUF):
                i = g + b
                gather_copy(b).wait()
                out_copy(i, b).start()

                @pl.when(g + _NBUF < n_chunks)
                def _():
                    idx_copy(i + _NBUF, b).start()

            return carry

        lax.fori_loop(0, n_chunks // _NBUF, body, 0)
        for b in range(_NBUF):
            out_copy(n_chunks - _NBUF + b, b).wait()

    return k


def kernel(input_ids, table):
    BATCH, HIST = input_ids.shape
    V, D = table.shape
    B = BATCH * HIST
    flat = input_ids.reshape(B).astype(jnp.int32)
    out = _build(B, D, 400)(flat, table)
    return out.reshape(BATCH, HIST, D)

# --- scband reference (transcript-rebuilt; emitter-appended) ---
"""Pipeline reference for scband-inference-embedding-1228360646801 (READ-ONLY COPY).

The authoritative reference and input builder live on the scoring server;
editing this copy changes nothing except your own understanding.
"""

import jax, jax.numpy as jnp
import numpy as np

VOCAB = 1000000
DIM = 64
BATCH = 16384
HIST = 50

def setup_inputs(seed: int = 0) -> dict:
    key = jax.random.key(seed)
    k1, k2 = jax.random.split(key)
    input_ids = jax.random.randint(k1, (BATCH, HIST), 0, VOCAB, dtype=jnp.int64 if jax.config.read('jax_enable_x64') else jnp.int32)
    # truncated-normal init (std=0.02, clamp to [-2, 2] sigma) matching to_empty init
    tmp = jax.random.normal(k2, (VOCAB, DIM), dtype=jnp.float32)
    tmp = jnp.clip(tmp, -2.0, 2.0)
    table = tmp * 0.02
    return {"input_ids": input_ids, "table": table}

def reference(input_ids, table):
    # torch.nn.Embedding forward: row gather from the table
    return jnp.take(table, input_ids, axis=0)

if __name__ == "__main__":
    import jax
    _d = setup_inputs()
    print(jax.jit(kernel)(*tuple(_d.values())))

</pallas_src>

<mosaic_0001>
#map = affine_map<(d0, d1) -> (0)>
#map1 = affine_map<(d0, d1) -> (0, 0)>
module attributes {stable_mosaic.version = 14 : i64} {
  func.func @k(%arg0: i32, %arg1: i32, %arg2: memref<819200xi32, #tpu.memory_space<hbm>>, %arg3: memref<1000000x64xf32, #tpu.memory_space<hbm>>, %arg4: memref<819200x64xf32, #tpu.memory_space<hbm>>, %arg5: memref<4x400xi32, #tpu.memory_space<vmem>>, %arg6: memref<4x400x64xf32, #tpu.memory_space<vmem>>, %arg7: memref<4x!tpu.dma_semaphore, #tpu.memory_space<semaphore_mem>>, %arg8: memref<4x!tpu.dma_semaphore, #tpu.memory_space<semaphore_mem>>, %arg9: memref<4x!tpu.dma_semaphore, #tpu.memory_space<semaphore_mem>>) attributes {dimension_semantics = [#tpu.dimension_semantics<core_parallel>, #tpu.dimension_semantics<subcore_parallel>], iteration_bounds = array<i64: 2, 16>, scalar_prefetch = 0 : i64, scratch_operands = 5 : i64, tpu.core_type = #tpu.core_type<sc_vector_subcore>, window_params = [{transform_indices = #map}, {transform_indices = #map1}, {transform_indices = #map1}]} {
    %mul3A = arith.constant 2 : i32
    %mul3A_0 = arith.muli %arg1, %mul3A : i32
    %add3A = arith.addi %mul3A_0, %arg0 : i32
    %mul3A_1 = arith.constant 25600 : i32
    %mul3A_2 = arith.muli %add3A, %mul3A_1 : i32
    %add3A_3 = arith.constant 0 : i32
    %add3A_4 = arith.addi %mul3A_2, %add3A_3 : i32
    %dma_start3A = arith.constant 0 : i32
    %dma_start3A_5 = arith.constant 0 : i32
    %dma_start3A_6 = arith.constant 0 : i32
    %dma_start3A_7 = tpu.memref_slice %arg5[%dma_start3A, %dma_start3A_6] : memref<4x400xi32, #tpu.memory_space<vmem>> -> memref<1x400xi32, #tpu.memory_space<vmem>>
    %dma_start3A_8 = tpu.memref_squeeze %dma_start3A_7 : memref<1x400xi32, #tpu.memory_space<vmem>> -> memref<400xi32, #tpu.memory_space<vmem>>
    %dma_start3A_9 = tpu.memref_slice %arg2[%add3A_4] : memref<819200xi32, #tpu.memory_space<hbm>> -> memref<400xi32, #tpu.memory_space<hbm>>
    %dma_start3A_10 = tpu.memref_slice %arg7[%dma_start3A_5] : memref<4x!tpu.dma_semaphore, #tpu.memory_space<semaphore_mem>> -> memref<1x!tpu.dma_semaphore, #tpu.memory_space<semaphore_mem>>
    %dma_start3A_11 = tpu.memref_squeeze %dma_start3A_10 : memref<1x!tpu.dma_semaphore, #tpu.memory_space<semaphore_mem>> -> memref<!tpu.dma_semaphore, #tpu.memory_space<semaphore_mem>>
    %dma_start3A_12 = arith.constant 0 : i32
    %dma_start3A_13 = tpu.memref_slice %arg5[%dma_start3A, %dma_start3A_12] : memref<4x400xi32, #tpu.memory_space<vmem>> -> memref<1x400xi32, #tpu.memory_space<vmem>>
    %dma_start3A_14 = tpu.memref_squeeze %dma_start3A_13 : memref<1x400xi32, #tpu.memory_space<vmem>> -> memref<400xi32, #tpu.memory_space<vmem>>
    %dma_start3A_15 = tpu.memref_slice %arg2[%add3A_4] : memref<819200xi32, #tpu.memory_space<hbm>> -> memref<400xi32, #tpu.memory_space<hbm>>
    tpu.enqueue_dma source(%dma_start3A_15 : memref<400xi32, #tpu.memory_space<hbm>>) target(%dma_start3A_14 : memref<400xi32, #tpu.memory_space<vmem>>) target_semaphore(%dma_start3A_11 : memref<!tpu.dma_semaphore, #tpu.memory_space<semaphore_mem>>)
    %add3A_16 = arith.constant 400 : i32
    %add3A_17 = arith.addi %mul3A_2, %add3A_16 : i32
    %dma_start3A_18 = arith.constant 1 : i32
    %dma_start3A_19 = arith.constant 1 : i32
    %dma_start3A_20 = arith.constant 0 : i32
    %dma_start3A_21 = tpu.memref_slice %arg5[%dma_start3A_18, %dma_start3A_20] : memref<4x400xi32, #tpu.memory_space<vmem>> -> memref<1x400xi32, #tpu.memory_space<vmem>>
    %dma_start3A_22 = tpu.memref_squeeze %dma_start3A_21 : memref<1x400xi32, #tpu.memory_space<vmem>> -> memref<400xi32, #tpu.memory_space<vmem>>
    %dma_start3A_23 = tpu.memref_slice %arg2[%add3A_17] : memref<819200xi32, #tpu.memory_space<hbm>> -> memref<400xi32, #tpu.memory_space<hbm>>
    %dma_start3A_24 = tpu.memref_slice %arg7[%dma_start3A_19] : memref<4x!tpu.dma_semaphore, #tpu.memory_space<semaphore_mem>> -> memref<1x!tpu.dma_semaphore, #tpu.memory_space<semaphore_mem>>
    %dma_start3A_25 = tpu.memref_squeeze %dma_start3A_24 : memref<1x!tpu.dma_semaphore, #tpu.memory_space<semaphore_mem>> -> memref<!tpu.dma_semaphore, #tpu.memory_space<semaphore_mem>>
    %dma_start3A_26 = arith.constant 0 : i32
    %dma_start3A_27 = tpu.memref_slice %arg5[%dma_start3A_18, %dma_start3A_26] : memref<4x400xi32, #tpu.memory_space<vmem>> -> memref<1x400xi32, #tpu.memory_space<vmem>>
    %dma_start3A_28 = tpu.memref_squeeze %dma_start3A_27 : memref<1x400xi32, #tpu.memory_space<vmem>> -> memref<400xi32, #tpu.memory_space<vmem>>
    %dma_start3A_29 = tpu.memref_slice %arg2[%add3A_17] : memref<819200xi32, #tpu.memory_space<hbm>> -> memref<400xi32, #tpu.memory_space<hbm>>
    tpu.enqueue_dma source(%dma_start3A_29 : memref<400xi32, #tpu.memory_space<hbm>>) target(%dma_start3A_28 : memref<400xi32, #tpu.memory_space<vmem>>) target_semaphore(%dma_start3A_25 : memref<!tpu.dma_semaphore, #tpu.memory_space<semaphore_mem>>)
    %add3A_30 = arith.constant 800 : i32
    %add3A_31 = arith.addi %mul3A_2, %add3A_30 : i32
    %dma_start3A_32 = arith.constant 2 : i32
    %dma_start3A_33 = arith.constant 2 : i32
    %dma_start3A_34 = arith.constant 0 : i32
    %dma_start3A_35 = tpu.memref_slice %arg5[%dma_start3A_32, %dma_start3A_34] : memref<4x400xi32, #tpu.memory_space<vmem>> -> memref<1x400xi32, #tpu.memory_space<vmem>>
    %dma_start3A_36 = tpu.memref_squeeze %dma_start3A_35 : memref<1x400xi32, #tpu.memory_space<vmem>> -> memref<400xi32, #tpu.memory_space<vmem>>
    %dma_start3A_37 = tpu.memref_slice %arg2[%add3A_31] : memref<819200xi32, #tpu.memory_space<hbm>> -> memref<400xi32, #tpu.memory_space<hbm>>
    %dma_start3A_38 = tpu.memref_slice %arg7[%dma_start3A_33] : memref<4x!tpu.dma_semaphore, #tpu.memory_space<semaphore_mem>> -> memref<1x!tpu.dma_semaphore, #tpu.memory_space<semaphore_mem>>
    %dma_start3A_39 = tpu.memref_squeeze %dma_start3A_38 : memref<1x!tpu.dma_semaphore, #tpu.memory_space<semaphore_mem>> -> memref<!tpu.dma_semaphore, #tpu.memory_space<semaphore_mem>>
    %dma_start3A_40 = arith.constant 0 : i32
    %dma_start3A_41 = tpu.memref_slice %arg5[%dma_start3A_32, %dma_start3A_40] : memref<4x400xi32, #tpu.memory_space<vmem>> -> memref<1x400xi32, #tpu.memory_space<vmem>>
    %dma_start3A_42 = tpu.memref_squeeze %dma_start3A_41 : memref<1x400xi32, #tpu.memory_space<vmem>> -> memref<400xi32, #tpu.memory_space<vmem>>
    %dma_start3A_43 = tpu.memref_slice %arg2[%add3A_31] : memref<819200xi32, #tpu.memory_space<hbm>> -> memref<400xi32, #tpu.memory_space<hbm>>
    tpu.enqueue_dma source(%dma_start3A_43 : memref<400xi32, #tpu.memory_space<hbm>>) target(%dma_start3A_42 : memref<400xi32, #tpu.memory_space<vmem>>) target_semaphore(%dma_start3A_39 : memref<!tpu.dma_semaphore, #tpu.memory_space<semaphore_mem>>)
    %add3A_44 = arith.constant 1200 : i32
    %add3A_45 = arith.addi %mul3A_2, %add3A_44 : i32
    %dma_start3A_46 = arith.constant 3 : i32
    %dma_start3A_47 = arith.constant 3 : i32
    %dma_start3A_48 = arith.constant 0 : i32
    %dma_start3A_49 = tpu.memref_slice %arg5[%dma_start3A_46, %dma_start3A_48] : memref<4x400xi32, #tpu.memory_space<vmem>> -> memref<1x400xi32, #tpu.memory_space<vmem>>
    %dma_start3A_50 = tpu.memref_squeeze %dma_start3A_49 : memref<1x400xi32, #tpu.memory_space<vmem>> -> memref<400xi32, #tpu.memory_space<vmem>>
    %dma_start3A_51 = tpu.memref_slice %arg2[%add3A_45] : memref<819200xi32, #tpu.memory_space<hbm>> -> memref<400xi32, #tpu.memory_space<hbm>>
    %dma_start3A_52 = tpu.memref_slice %arg7[%dma_start3A_47] : memref<4x!tpu.dma_semaphore, #tpu.memory_space<semaphore_mem>> -> memref<1x!tpu.dma_semaphore, #tpu.memory_space<semaphore_mem>>
    %dma_start3A_53 = tpu.memref_squeeze %dma_start3A_52 : memref<1x!tpu.dma_semaphore, #tpu.memory_space<semaphore_mem>> -> memref<!tpu.dma_semaphore, #tpu.memory_space<semaphore_mem>>
    %dma_start3A_54 = arith.constant 0 : i32
    %dma_start3A_55 = tpu.memref_slice %arg5[%dma_start3A_46, %dma_start3A_54] : memref<4x400xi32, #tpu.memory_space<vmem>> -> memref<1x400xi32, #tpu.memory_space<vmem>>
    %dma_start3A_56 = tpu.memref_squeeze %dma_start3A_55 : memref<1x400xi32, #tpu.memory_space<vmem>> -> memref<400xi32, #tpu.memory_space<vmem>>
    %dma_start3A_57 = tpu.memref_slice %arg2[%add3A_45] : memref<819200xi32, #tpu.memory_space<hbm>> -> memref<400xi32, #tpu.memory_space<hbm>>
    tpu.enqueue_dma source(%dma_start3A_57 : memref<400xi32, #tpu.memory_space<hbm>>) target(%dma_start3A_56 : memref<400xi32, #tpu.memory_space<vmem>>) target_semaphore(%dma_start3A_53 : memref<!tpu.dma_semaphore, #tpu.memory_space<semaphore_mem>>)
    %scan3A = arith.constant 0 : i32
    %scan3A_58 = arith.constant 0 : i32
    %scan3A_59 = arith.constant 16 : i32
    %scan3A_60 = arith.addi %scan3A_58, %scan3A_59 : i32
    %scan3A_61 = arith.constant 1 : i32
    scf.for %scan3A_134 = %scan3A_58 to %scan3A_60 step %scan3A_61  : i32 {
      %mul3A_135 = arith.constant 4 : i32
      %mul3A_136 = arith.muli %scan3A_134, %mul3A_135 : i32
      %add3A_137 = arith.constant 0 : i32
      %add3A_138 = arith.addi %mul3A_136, %add3A_137 : i32
      %mul3A_139 = arith.constant 400 : i32
      %mul3A_140 = arith.muli %add3A_138, %mul3A_139 : i32
      %add3A_141 = arith.addi %mul3A_2, %mul3A_140 : i32
      %dma_wait3A_142 = arith.constant 0 : i32
      %dma_wait3A_143 = arith.constant 0 : i32
      %dma_wait3A_144 = arith.constant 0 : i32
      %dma_wait3A_145 = tpu.memref_slice %arg5[%dma_wait3A_142, %dma_wait3A_144] : memref<4x400xi32, #tpu.memory_space<vmem>> -> memref<1x400xi32, #tpu.memory_space<vmem>>
      %dma_wait3A_146 = tpu.memref_squeeze %dma_wait3A_145 : memref<1x400xi32, #tpu.memory_space<vmem>> -> memref<400xi32, #tpu.memory_space<vmem>>
      %dma_wait3A_147 = tpu.memref_slice %arg2[%add3A_141] : memref<819200xi32, #tpu.memory_space<hbm>> -> memref<400xi32, #tpu.memory_space<hbm>>
      %dma_wait3A_148 = tpu.memref_slice %arg7[%dma_wait3A_143] : memref<4x!tpu.dma_semaphore, #tpu.memory_space<semaphore_mem>> -> memref<1x!tpu.dma_semaphore, #tpu.memory_space<semaphore_mem>>
      %dma_wait3A_149 = tpu.memref_squeeze %dma_wait3A_148 : memref<1x!tpu.dma_semaphore, #tpu.memory_space<semaphore_mem>> -> memref<!tpu.dma_semaphore, #tpu.memory_space<semaphore_mem>>
      %dma_wait3A_150 = arith.constant 0 : i32
      %dma_wait3A_151 = tpu.memref_slice %arg5[%dma_wait3A_142, %dma_wait3A_150] : memref<4x400xi32, #tpu.memory_space<vmem>> -> memref<1x400xi32, #tpu.memory_space<vmem>>
      %dma_wait3A_152 = tpu.memref_squeeze %dma_wait3A_151 : memref<1x400xi32, #tpu.memory_space<vmem>> -> memref<400xi32, #tpu.memory_space<vmem>>
      %dma_wait3A_153 = tpu.memref_slice %arg2[%add3A_141] : memref<819200xi32, #tpu.memory_space<hbm>> -> memref<400xi32, #tpu.memory_space<hbm>>
      tpu.wait_dma2 semaphore(%dma_wait3A_149 : memref<!tpu.dma_semaphore, #tpu.memory_space<semaphore_mem>>) src(%dma_wait3A_153 : memref<400xi32, #tpu.memory_space<hbm>>) dst(%dma_wait3A_152 : memref<400xi32, #tpu.memory_space<vmem>>)
      %gt3A = arith.constant 0 : i32
      %gt3A_154 = arith.cmpi sgt, %mul3A_136, %gt3A : i32
      %convert_element_type3A = arith.extui %gt3A_154 : i1 to i32
      %cond3A = arith.constant 0 : i32
      %cond3A_155 = arith.cmpi ne, %convert_element_type3A, %cond3A : i32
      scf.if %cond3A_155 {
        %mul3A_453 = arith.constant 400 : i32
        %mul3A_454 = arith.muli %add3A_138, %mul3A_453 : i32
        %add3A_455 = arith.addi %mul3A_2, %mul3A_454 : i32
        %dma_wait3A_456 = arith.constant 0 : i32
        %dma_wait3A_457 = arith.constant 0 : i32
        %dma_wait3A_458 = arith.constant 0 : i32
        %dma_wait3A_459 = arith.constant 0 : i32
        %dma_wait3A_460 = tpu.memref_slice %arg6[%dma_wait3A_456, %dma_wait3A_458, %dma_wait3A_459] : memref<4x400x64xf32, #tpu.memory_space<vmem>> -> memref<1x400x64xf32, #tpu.memory_space<vmem>>
        %dma_wait3A_461 = tpu.memref_squeeze %dma_wait3A_460 : memref<1x400x64xf32, #tpu.memory_space<vmem>> -> memref<400x64xf32, #tpu.memory_space<vmem>>
        %dma_wait3A_462 = arith.constant 0 : i32
        %dma_wait3A_463 = tpu.memref_slice %arg4[%add3A_455, %dma_wait3A_462] : memref<819200x64xf32, #tpu.memory_space<hbm>> -> memref<400x64xf32, #tpu.memory_space<hbm>>
        %dma_wait3A_464 = tpu.memref_slice %arg9[%dma_wait3A_457] : memref<4x!tpu.dma_semaphore, #tpu.memory_space<semaphore_mem>> -> memref<1x!tpu.dma_semaphore, #tpu.memory_space<semaphore_mem>>
        %dma_wait3A_465 = tpu.memref_squeeze %dma_wait3A_464 : memref<1x!tpu.dma_semaphore, #tpu.memory_space<semaphore_mem>> -> memref<!tpu.dma_semaphore, #tpu.memory_space<semaphore_mem>>
        %dma_wait3A_466 = arith.constant 0 : i32
        %dma_wait3A_467 = tpu.memref_slice %arg4[%add3A_455, %dma_wait3A_466] : memref<819200x64xf32, #tpu.memory_space<hbm>> -> memref<400x64xf32, #tpu.memory_space<hbm>>
        %dma_wait3A_468 = arith.constant 0 : i32
        %dma_wait3A_469 = arith.constant 0 : i32
        %dma_wait3A_470 = tpu.memref_slice %arg6[%dma_wait3A_456, %dma_wait3A_468, %dma_wait3A_469] : memref<4x400x64xf32, #tpu.memory_space<vmem>> -> memref<1x400x64xf32, #tpu.memory_space<vmem>>
        %dma_wait3A_471 = tpu.memref_squeeze %dma_wait3A_470 : memref<1x400x64xf32, #tpu.memory_space<vmem>> -> memref<400x64xf32, #tpu.memory_space<vmem>>
        tpu.wait_dma2 semaphore(%dma_wait3A_465 : memref<!tpu.dma_semaphore, #tpu.memory_space<semaphore_mem>>) src(%dma_wait3A_471 : memref<400x64xf32, #tpu.memory_space<vmem>>) dst(%dma_wait3A_467 : memref<400x64xf32, #tpu.memory_space<hbm>>)
      } else {
      }
      %dma_start3A_156 = arith.constant 0 : i32
      %dma_start3A_157 = arith.constant 0 : i32
      %dma_start3A_158 = arith.constant 0 : i32
      %dma_start3A_159 = arith.constant 0 : i32
      %dma_start3A_160 = arith.constant 0 : i32
      %dma_start3A_161 = tpu.memref_slice %arg6[%dma_start3A_157, %dma_start3A_159, %dma_start3A_160] : memref<4x400x64xf32, #tpu.memory_space<vmem>> -> memref<1x400x64xf32, #tpu.memory_space<vmem>>
      %dma_start3A_162 = tpu.memref_squeeze %dma_start3A_161 : memref<1x400x64xf32, #tpu.memory_space<vmem>> -> memref<400x64xf32, #tpu.memory_space<vmem>>
      %dma_start3A_163 = arith.constant 0 : i32
      %dma_start3A_164 = tpu.memref_slice %arg5[%dma_start3A_156, %dma_start3A_163] : memref<4x400xi32, #tpu.memory_space<vmem>> -> memref<1x400xi32, #tpu.memory_space<vmem>>
      %dma_start3A_165 = tpu.memref_squeeze %dma_start3A_164 : memref<1x400xi32, #tpu.memory_space<vmem>> -> memref<400xi32, #tpu.memory_space<vmem>>
      %dma_start3A_166 = arith.constant 0 : i32
      %dma_start3A_167 = arith.constant 0 : i32
      %dma_start3A_168 = tpu.memref_slice %arg3[%dma_start3A_166, %dma_start3A_167] : memref<1000000x64xf32, #tpu.memory_space<hbm>> -> memref<1000000x64xf32, #tpu.memory_space<hbm>>
      %dma_start3A_169 = tpu.memref_slice %arg8[%dma_start3A_158] : memref<4x!tpu.dma_semaphore, #tpu.memory_space<semaphore_mem>> -> memref<1x!tpu.dma_semaphore, #tpu.memory_space<semaphore_mem>>
      %dma_start3A_170 = tpu.memref_squeeze %dma_start3A_169 : memref<1x!tpu.dma_semaphore, #tpu.memory_space<semaphore_mem>> -> memref<!tpu.dma_semaphore, #tpu.memory_space<semaphore_mem>>
      tpu.enqueue_indirect_dma source(%dma_start3A_168 : memref<1000000x64xf32, #tpu.memory_space<hbm>>) target(%dma_start3A_162 : memref<400x64xf32, #tpu.memory_space<vmem>>) offsets(%dma_start3A_165 : memref<400xi32, #tpu.memory_space<vmem>>) semaphore(%dma_start3A_170 : memref<!tpu.dma_semaphore, #tpu.memory_space<semaphore_mem>>)
      %add3A_171 = arith.constant 1 : i32
      %add3A_172 = arith.addi %mul3A_136, %add3A_171 : i32
      %mul3A_173 = arith.constant 400 : i32
      %mul3A_174 = arith.muli %add3A_172, %mul3A_173 : i32
      %add3A_175 = arith.addi %mul3A_2, %mul3A_174 : i32
      %dma_wait3A_176 = arith.constant 1 : i32
      %dma_wait3A_177 = arith.constant 1 : i32
      %dma_wait3A_178 = arith.constant 0 : i32
      %dma_wait3A_179 = tpu.memref_slice %arg5[%dma_wait3A_176, %dma_wait3A_178] : memref<4x400xi32, #tpu.memory_space<vmem>> -> memref<1x400xi32, #tpu.memory_space<vmem>>
      %dma_wait3A_180 = tpu.memref_squeeze %dma_wait3A_179 : memref<1x400xi32, #tpu.memory_space<vmem>> -> memref<400xi32, #tpu.memory_space<vmem>>
      %dma_wait3A_181 = tpu.memref_slice %arg2[%add3A_175] : memref<819200xi32, #tpu.memory_space<hbm>> -> memref<400xi32, #tpu.memory_space<hbm>>
      %dma_wait3A_182 = tpu.memref_slice %arg7[%dma_wait3A_177] : memref<4x!tpu.dma_semaphore, #tpu.memory_space<semaphore_mem>> -> memref<1x!tpu.dma_semaphore, #tpu.memory_space<semaphore_mem>>
      %dma_wait3A_183 = tpu.memref_squeeze %dma_wait3A_182 : memref<1x!tpu.dma_semaphore, #tpu.memory_space<semaphore_mem>> -> memref<!tpu.dma_semaphore, #tpu.memory_space<semaphore_mem>>
      %dma_wait3A_184 = arith.constant 0 : i32
      %dma_wait3A_185 = tpu.memref_slice %arg5[%dma_wait3A_176, %dma_wait3A_184] : memref<4x400xi32, #tpu.memory_space<vmem>> -> memref<1x400xi32, #tpu.memory_space<vmem>>
      %dma_wait3A_186 = tpu.memref_squeeze %dma_wait3A_185 : memref<1x400xi32, #tpu.memory_space<vmem>> -> memref<400xi32, #tpu.memory_space<vmem>>
      %dma_wait3A_187 = tpu.memref_slice %arg2[%add3A_175] : memref<819200xi32, #tpu.memory_space<hbm>> -> memref<400xi32, #tpu.memory_space<hbm>>
      tpu.wait_dma2 semaphore(%dma_wait3A_183 : memref<!tpu.dma_semaphore, #tpu.memory_space<semaphore_mem>>) src(%dma_wait3A_187 : memref<400xi32, #tpu.memory_space<hbm>>) dst(%dma_wait3A_186 : memref<400xi32, #tpu.memory_space<vmem>>)
      %gt3A_188 = arith.constant 0 : i32
      %gt3A_189 = arith.cmpi sgt, %mul3A_136, %gt3A_188 : i32
      %convert_element_type3A_190 = arith.extui %gt3A_189 : i1 to i32
      %cond3A_191 = arith.constant 0 : i32
      %cond3A_192 = arith.cmpi ne, %convert_element_type3A_190, %cond3A_191 : i32
      scf.if %cond3A_192 {
        %mul3A_453 = arith.constant 400 : i32
        %mul3A_454 = arith.muli %add3A_172, %mul3A_453 : i32
        %add3A_455 = arith.addi %mul3A_2, %mul3A_454 : i32
        %dma_wait3A_456 = arith.constant 1 : i32
        %dma_wait3A_457 = arith.constant 1 : i32
        %dma_wait3A_458 = arith.constant 0 : i32
        %dma_wait3A_459 = arith.constant 0 : i32
        %dma_wait3A_460 = tpu.memref_slice %arg6[%dma_wait3A_456, %dma_wait3A_458, %dma_wait3A_459] : memref<4x400x64xf32, #tpu.memory_space<vmem>> -> memref<1x400x64xf32, #tpu.memory_space<vmem>>
        %dma_wait3A_461 = tpu.memref_squeeze %dma_wait3A_460 : memref<1x400x64xf32, #tpu.memory_space<vmem>> -> memref<400x64xf32, #tpu.memory_space<vmem>>
        %dma_wait3A_462 = arith.constant 0 : i32
        %dma_wait3A_463 = tpu.memref_slice %arg4[%add3A_455, %dma_wait3A_462] : memref<819200x64xf32, #tpu.memory_space<hbm>> -> memref<400x64xf32, #tpu.memory_space<hbm>>
        %dma_wait3A_464 = tpu.memref_slice %arg9[%dma_wait3A_457] : memref<4x!tpu.dma_semaphore, #tpu.memory_space<semaphore_mem>> -> memref<1x!tpu.dma_semaphore, #tpu.memory_space<semaphore_mem>>
        %dma_wait3A_465 = tpu.memref_squeeze %dma_wait3A_464 : memref<1x!tpu.dma_semaphore, #tpu.memory_space<semaphore_mem>> -> memref<!tpu.dma_semaphore, #tpu.memory_space<semaphore_mem>>
        %dma_wait3A_466 = arith.constant 0 : i32
        %dma_wait3A_467 = tpu.memref_slice %arg4[%add3A_455, %dma_wait3A_466] : memref<819200x64xf32, #tpu.memory_space<hbm>> -> memref<400x64xf32, #tpu.memory_space<hbm>>
        %dma_wait3A_468 = arith.constant 0 : i32
        %dma_wait3A_469 = arith.constant 0 : i32
        %dma_wait3A_470 = tpu.memref_slice %arg6[%dma_wait3A_456, %dma_wait3A_468, %dma_wait3A_469] : memref<4x400x64xf32, #tpu.memory_space<vmem>> -> memref<1x400x64xf32, #tpu.memory_space<vmem>>
        %dma_wait3A_471 = tpu.memref_squeeze %dma_wait3A_470 : memref<1x400x64xf32, #tpu.memory_space<vmem>> -> memref<400x64xf32, #tpu.memory_space<vmem>>
        tpu.wait_dma2 semaphore(%dma_wait3A_465 : memref<!tpu.dma_semaphore, #tpu.memory_space<semaphore_mem>>) src(%dma_wait3A_471 : memref<400x64xf32, #tpu.memory_space<vmem>>) dst(%dma_wait3A_467 : memref<400x64xf32, #tpu.memory_space<hbm>>)
      } else {
      }
      %dma_start3A_193 = arith.constant 1 : i32
      %dma_start3A_194 = arith.constant 1 : i32
      %dma_start3A_195 = arith.constant 1 : i32
      %dma_start3A_196 = arith.constant 0 : i32
      %dma_start3A_197 = arith.constant 0 : i32
      %dma_start3A_198 = tpu.memref_slice %arg6[%dma_start3A_194, %dma_start3A_196, %dma_start3A_197] : memref<4x400x64xf32, #tpu.memory_space<vmem>> -> memref<1x400x64xf32, #tpu.memory_space<vmem>>
      %dma_start3A_199 = tpu.memref_squeeze %dma_start3A_198 : memref<1x400x64xf32, #tpu.memory_space<vmem>> -> memref<400x64xf32, #tpu.memory_space<vmem>>
      %dma_start3A_200 = arith.constant 0 : i32
      %dma_start3A_201 = tpu.memref_slice %arg5[%dma_start3A_193, %dma_start3A_200] : memref<4x400xi32, #tpu.memory_space<vmem>> -> memref<1x400xi32, #tpu.memory_space<vmem>>
      %dma_start3A_202 = tpu.memref_squeeze %dma_start3A_201 : memref<1x400xi32, #tpu.memory_space<vmem>> -> memref<400xi32, #tpu.memory_space<vmem>>
      %dma_start3A_203 = arith.constant 0 : i32
      %dma_start3A_204 = arith.constant 0 : i32
      %dma_start3A_205 = tpu.memref_slice %arg3[%dma_start3A_203, %dma_start3A_204] : memref<1000000x64xf32, #tpu.memory_space<hbm>> -> memref<1000000x64xf32, #tpu.memory_space<hbm>>
      %dma_start3A_206 = tpu.memref_slice %arg8[%dma_start3A_195] : memref<4x!tpu.dma_semaphore, #tpu.memory_space<semaphore_mem>> -> memref<1x!tpu.dma_semaphore, #tpu.memory_space<semaphore_mem>>
      %dma_start3A_207 = tpu.memref_squeeze %dma_start3A_206 : memref<1x!tpu.dma_semaphore, #tpu.memory_space<semaphore_mem>> -> memref<!tpu.dma_semaphore, #tpu.memory_space<semaphore_mem>>
      tpu.enqueue_indirect_dma source(%dma_start3A_205 : memref<1000000x64xf32, #tpu.memory_space<hbm>>) target(%dma_start3A_199 : memref<400x64xf32, #tpu.memory_space<vmem>>) offsets(%dma_start3A_202 : memref<400xi32, #tpu.memory_space<vmem>>) semaphore(%dma_start3A_207 : memref<!tpu.dma_semaphore, #tpu.memory_space<semaphore_mem>>)
      %add3A_208 = arith.constant 2 : i32
      %add3A_209 = arith.addi %mul3A_136, %add3A_208 : i32
      %mul3A_210 = arith.constant 400 : i32
      %mul3A_211 = arith.muli %add3A_209, %mul3A_210 : i32
      %add3A_212 = arith.addi %mul3A_2, %mul3A_211 : i32
      %dma_wait3A_213 = arith.constant 2 : i32
      %dma_wait3A_214 = arith.constant 2 : i32
      %dma_wait3A_215 = arith.constant 0 : i32
      %dma_wait3A_216 = tpu.memref_slice %arg5[%dma_wait3A_213, %dma_wait3A_215] : memref<4x400xi32, #tpu.memory_space<vmem>> -> memref<1x400xi32, #tpu.memory_space<vmem>>
      %dma_wait3A_217 = tpu.memref_squeeze %dma_wait3A_216 : memref<1x400xi32, #tpu.memory_space<vmem>> -> memref<400xi32, #tpu.memory_space<vmem>>
      %dma_wait3A_218 = tpu.memref_slice %arg2[%add3A_212] : memref<819200xi32, #tpu.memory_space<hbm>> -> memref<400xi32, #tpu.memory_space<hbm>>
      %dma_wait3A_219 = tpu.memref_slice %arg7[%dma_wait3A_214] : memref<4x!tpu.dma_semaphore, #tpu.memory_space<semaphore_mem>> -> memref<1x!tpu.dma_semaphore, #tpu.memory_space<semaphore_mem>>
      %dma_wait3A_220 = tpu.memref_squeeze %dma_wait3A_219 : memref<1x!tpu.dma_semaphore, #tpu.memory_space<semaphore_mem>> -> memref<!tpu.dma_semaphore, #tpu.memory_space<semaphore_mem>>
      %dma_wait3A_221 = arith.constant 0 : i32
      %dma_wait3A_222 = tpu.memref_slice %arg5[%dma_wait3A_213, %dma_wait3A_221] : memref<4x400xi32, #tpu.memory_space<vmem>> -> memref<1x400xi32, #tpu.memory_space<vmem>>
      %dma_wait3A_223 = tpu.memref_squeeze %dma_wait3A_222 : memref<1x400xi32, #tpu.memory_space<vmem>> -> memref<400xi32, #tpu.memory_space<vmem>>
      %dma_wait3A_224 = tpu.memref_slice %arg2[%add3A_212] : memref<819200xi32, #tpu.memory_space<hbm>> -> memref<400xi32, #tpu.memory_space<hbm>>
      tpu.wait_dma2 semaphore(%dma_wait3A_220 : memref<!tpu.dma_semaphore, #tpu.memory_space<semaphore_mem>>) src(%dma_wait3A_224 : memref<400xi32, #tpu.memory_space<hbm>>) dst(%dma_wait3A_223 : memref<400xi32, #tpu.memory_space<vmem>>)
      %gt3A_225 = arith.constant 0 : i32
      %gt3A_226 = arith.cmpi sgt, %mul3A_136, %gt3A_225 : i32
      %convert_element_type3A_227 = arith.extui %gt3A_226 : i1 to i32
      %cond3A_228 = arith.constant 0 : i32
      %cond3A_229 = arith.cmpi ne, %convert_element_type3A_227, %cond3A_228 : i32
      scf.if %cond3A_229 {
        %mul3A_453 = arith.constant 400 : i32
        %mul3A_454 = arith.muli %add3A_209, %mul3A_453 : i32
        %add3A_455 = arith.addi %mul3A_2, %mul3A_454 : i32
        %dma_wait3A_456 = arith.constant 2 : i32
        %dma_wait3A_457 = arith.constant 2 : i32
        %dma_wait3A_458 = arith.constant 0 : i32
        %dma_wait3A_459 = arith.constant 0 : i32
        %dma_wait3A_460 = tpu.memref_slice %arg6[%dma_wait3A_456, %dma_wait3A_458, %dma_wait3A_459] : memref<4x400x64xf32, #tpu.memory_space<vmem>> -> memref<1x400x64xf32, #tpu.memory_space<vmem>>
        %dma_wait3A_461 = tpu.memref_squeeze %dma_wait3A_460 : memref<1x400x64xf32, #tpu.memory_space<vmem>> -> memref<400x64xf32, #tpu.memory_space<vmem>>
        %dma_wait3A_462 = arith.constant 0 : i32
        %dma_wait3A_463 = tpu.memref_slice %arg4[%add3A_455, %dma_wait3A_462] : memref<819200x64xf32, #tpu.memory_space<hbm>> -> memref<400x64xf32, #tpu.memory_space<hbm>>
        %dma_wait3A_464 = tpu.memref_slice %arg9[%dma_wait3A_457] : memref<4x!tpu.dma_semaphore, #tpu.memory_space<semaphore_mem>> -> memref<1x!tpu.dma_semaphore, #tpu.memory_space<semaphore_mem>>
        %dma_wait3A_465 = tpu.memref_squeeze %dma_wait3A_464 : memref<1x!tpu.dma_semaphore, #tpu.memory_space<semaphore_mem>> -> memref<!tpu.dma_semaphore, #tpu.memory_space<semaphore_mem>>
        %dma_wait3A_466 = arith.constant 0 : i32
        %dma_wait3A_467 = tpu.memref_slice %arg4[%add3A_455, %dma_wait3A_466] : memref<819200x64xf32, #tpu.memory_space<hbm>> -> memref<400x64xf32, #tpu.memory_space<hbm>>
        %dma_wait3A_468 = arith.constant 0 : i32
        %dma_wait3A_469 = arith.constant 0 : i32
        %dma_wait3A_470 = tpu.memref_slice %arg6[%dma_wait3A_456, %dma_wait3A_468, %dma_wait3A_469] : memref<4x400x64xf32, #tpu.memory_space<vmem>> -> memref<1x400x64xf32, #tpu.memory_space<vmem>>
        %dma_wait3A_471 = tpu.memref_squeeze %dma_wait3A_470 : memref<1x400x64xf32, #tpu.memory_space<vmem>> -> memref<400x64xf32, #tpu.memory_space<vmem>>
        tpu.wait_dma2 semaphore(%dma_wait3A_465 : memref<!tpu.dma_semaphore, #tpu.memory_space<semaphore_mem>>) src(%dma_wait3A_471 : memref<400x64xf32, #tpu.memory_space<vmem>>) dst(%dma_wait3A_467 : memref<400x64xf32, #tpu.memory_space<hbm>>)
      } else {
      }
      %dma_start3A_230 = arith.constant 2 : i32
      %dma_start3A_231 = arith.constant 2 : i32
      %dma_start3A_232 = arith.constant 2 : i32
      %dma_start3A_233 = arith.constant 0 : i32
      %dma_start3A_234 = arith.constant 0 : i32
      %dma_start3A_235 = tpu.memref_slice %arg6[%dma_start3A_231, %dma_start3A_233, %dma_start3A_234] : memref<4x400x64xf32, #tpu.memory_space<vmem>> -> memref<1x400x64xf32, #tpu.memory_space<vmem>>
      %dma_start3A_236 = tpu.memref_squeeze %dma_start3A_235 : memref<1x400x64xf32, #tpu.memory_space<vmem>> -> memref<400x64xf32, #tpu.memory_space<vmem>>
      %dma_start3A_237 = arith.constant 0 : i32
      %dma_start3A_238 = tpu.memref_slice %arg5[%dma_start3A_230, %dma_start3A_237] : memref<4x400xi32, #tpu.memory_space<vmem>> -> memref<1x400xi32, #tpu.memory_space<vmem>>
      %dma_start3A_239 = tpu.memref_squeeze %dma_start3A_238 : memref<1x400xi32, #tpu.memory_space<vmem>> -> memref<400xi32, #tpu.memory_space<vmem>>
      %dma_start3A_240 = arith.constant 0 : i32
      %dma_start3A_241 = arith.constant 0 : i32
      %dma_start3A_242 = tpu.memref_slice %arg3[%dma_start3A_240, %dma_start3A_241] : memref<1000000x64xf32, #tpu.memory_space<hbm>> -> memref<1000000x64xf32, #tpu.memory_space<hbm>>
      %dma_start3A_243 = tpu.memref_slice %arg8[%dma_start3A_232] : memref<4x!tpu.dma_semaphore, #tpu.memory_space<semaphore_mem>> -> memref<1x!tpu.dma_semaphore, #tpu.memory_space<semaphore_mem>>
      %dma_start3A_244 = tpu.memref_squeeze %dma_start3A_243 : memref<1x!tpu.dma_semaphore, #tpu.memory_space<semaphore_mem>> -> memref<!tpu.dma_semaphore, #tpu.memory_space<semaphore_mem>>
      tpu.enqueue_indirect_dma source(%dma_start3A_242 : memref<1000000x64xf32, #tpu.memory_space<hbm>>) target(%dma_start3A_236 : memref<400x64xf32, #tpu.memory_space<vmem>>) offsets(%dma_start3A_239 : memref<400xi32, #tpu.memory_space<vmem>>) semaphore(%dma_start3A_244 : memref<!tpu.dma_semaphore, #tpu.memory_space<semaphore_mem>>)
      %add3A_245 = arith.constant 3 : i32
      %add3A_246 = arith.addi %mul3A_136, %add3A_245 : i32
      %mul3A_247 = arith.constant 400 : i32
      %mul3A_248 = arith.muli %add3A_246, %mul3A_247 : i32
      %add3A_249 = arith.addi %mul3A_2, %mul3A_248 : i32
      %dma_wait3A_250 = arith.constant 3 : i32
      %dma_wait3A_251 = arith.constant 3 : i32
      %dma_wait3A_252 = arith.constant 0 : i32
      %dma_wait3A_253 = tpu.memref_slice %arg5[%dma_wait3A_250, %dma_wait3A_252] : memref<4x400xi32, #tpu.memory_space<vmem>> -> memref<1x400xi32, #tpu.memory_space<vmem>>
      %dma_wait3A_254 = tpu.memref_squeeze %dma_wait3A_253 : memref<1x400xi32, #tpu.memory_space<vmem>> -> memref<400xi32, #tpu.memory_space<vmem>>
      %dma_wait3A_255 = tpu.memref_slice %arg2[%add3A_249] : memref<819200xi32, #tpu.memory_space<hbm>> -> memref<400xi32, #tpu.memory_space<hbm>>
      %dma_wait3A_256 = tpu.memref_slice %arg7[%dma_wait3A_251] : memref<4x!tpu.dma_semaphore, #tpu.memory_space<semaphore_mem>> -> memref<1x!tpu.dma_semaphore, #tpu.memory_space<semaphore_mem>>
      %dma_wait3A_257 = tpu.memref_squeeze %dma_wait3A_256 : memref<1x!tpu.dma_semaphore, #tpu.memory_space<semaphore_mem>> -> memref<!tpu.dma_semaphore, #tpu.memory_space<semaphore_mem>>
      %dma_wait3A_258 = arith.constant 0 : i32
      %dma_wait3A_259 = tpu.memref_slice %arg5[%dma_wait3A_250, %dma_wait3A_258] : memref<4x400xi32, #tpu.memory_space<vmem>> -> memref<1x400xi32, #tpu.memory_space<vmem>>
      %dma_wait3A_260 = tpu.memref_squeeze %dma_wait3A_259 : memref<1x400xi32, #tpu.memory_space<vmem>> -> memref<400xi32, #tpu.memory_space<vmem>>
      %dma_wait3A_261 = tpu.memref_slice %arg2[%add3A_249] : memref<819200xi32, #tpu.memory_space<hbm>> -> memref<400xi32, #tpu.memory_space<hbm>>
      tpu.wait_dma2 semaphore(%dma_wait3A_257 : memref<!tpu.dma_semaphore, #tpu.memory_space<semaphore_mem>>) src(%dma_wait3A_261 : memref<400xi32, #tpu.memory_space<hbm>>) dst(%dma_wait3A_260 : memref<400xi32, #tpu.memory_space<vmem>>)
      %gt3A_262 = arith.constant 0 : i32
      %gt3A_263 = arith.cmpi sgt, %mul3A_136, %gt3A_262 : i32
      %convert_element_type3A_264 = arith.extui %gt3A_263 : i1 to i32
      %cond3A_265 = arith.constant 0 : i32
      %cond3A_266 = arith.cmpi ne, %convert_element_type3A_264, %cond3A_265 : i32
      scf.if %cond3A_266 {
        %mul3A_453 = arith.constant 400 : i32
        %mul3A_454 = arith.muli %add3A_246, %mul3A_453 : i32
        %add3A_455 = arith.addi %mul3A_2, %mul3A_454 : i32
        %dma_wait3A_456 = arith.constant 3 : i32
        %dma_wait3A_457 = arith.constant 3 : i32
        %dma_wait3A_458 = arith.constant 0 : i32
        %dma_wait3A_459 = arith.constant 0 : i32
        %dma_wait3A_460 = tpu.memref_slice %arg6[%dma_wait3A_456, %dma_wait3A_458, %dma_wait3A_459] : memref<4x400x64xf32, #tpu.memory_space<vmem>> -> memref<1x400x64xf32, #tpu.memory_space<vmem>>
        %dma_wait3A_461 = tpu.memref_squeeze %dma_wait3A_460 : memref<1x400x64xf32, #tpu.memory_space<vmem>> -> memref<400x64xf32, #tpu.memory_space<vmem>>
        %dma_wait3A_462 = arith.constant 0 : i32
        %dma_wait3A_463 = tpu.memref_slice %arg4[%add3A_455, %dma_wait3A_462] : memref<819200x64xf32, #tpu.memory_space<hbm>> -> memref<400x64xf32, #tpu.memory_space<hbm>>
        %dma_wait3A_464 = tpu.memref_slice %arg9[%dma_wait3A_457] : memref<4x!tpu.dma_semaphore, #tpu.memory_space<semaphore_mem>> -> memref<1x!tpu.dma_semaphore, #tpu.memory_space<semaphore_mem>>
        %dma_wait3A_465 = tpu.memref_squeeze %dma_wait3A_464 : memref<1x!tpu.dma_semaphore, #tpu.memory_space<semaphore_mem>> -> memref<!tpu.dma_semaphore, #tpu.memory_space<semaphore_mem>>
        %dma_wait3A_466 = arith.constant 0 : i32
        %dma_wait3A_467 = tpu.memref_slice %arg4[%add3A_455, %dma_wait3A_466] : memref<819200x64xf32, #tpu.memory_space<hbm>> -> memref<400x64xf32, #tpu.memory_space<hbm>>
        %dma_wait3A_468 = arith.constant 0 : i32
        %dma_wait3A_469 = arith.constant 0 : i32
        %dma_wait3A_470 = tpu.memref_slice %arg6[%dma_wait3A_456, %dma_wait3A_468, %dma_wait3A_469] : memref<4x400x64xf32, #tpu.memory_space<vmem>> -> memref<1x400x64xf32, #tpu.memory_space<vmem>>
        %dma_wait3A_471 = tpu.memref_squeeze %dma_wait3A_470 : memref<1x400x64xf32, #tpu.memory_space<vmem>> -> memref<400x64xf32, #tpu.memory_space<vmem>>
        tpu.wait_dma2 semaphore(%dma_wait3A_465 : memref<!tpu.dma_semaphore, #tpu.memory_space<semaphore_mem>>) src(%dma_wait3A_471 : memref<400x64xf32, #tpu.memory_space<vmem>>) dst(%dma_wait3A_467 : memref<400x64xf32, #tpu.memory_space<hbm>>)
      } else {
      }
      %dma_start3A_267 = arith.constant 3 : i32
      %dma_start3A_268 = arith.constant 3 : i32
      %dma_start3A_269 = arith.constant 3 : i32
      %dma_start3A_270 = arith.constant 0 : i32
      %dma_start3A_271 = arith.constant 0 : i32
      %dma_start3A_272 = tpu.memref_slice %arg6[%dma_start3A_268, %dma_start3A_270, %dma_start3A_271] : memref<4x400x64xf32, #tpu.memory_space<vmem>> -> memref<1x400x64xf32, #tpu.memory_space<vmem>>
      %dma_start3A_273 = tpu.memref_squeeze %dma_start3A_272 : memref<1x400x64xf32, #tpu.memory_space<vmem>> -> memref<400x64xf32, #tpu.memory_space<vmem>>
      %dma_start3A_274 = arith.constant 0 : i32
      %dma_start3A_275 = tpu.memref_slice %arg5[%dma_start3A_267, %dma_start3A_274] : memref<4x400xi32, #tpu.memory_space<vmem>> -> memref<1x400xi32, #tpu.memory_space<vmem>>
      %dma_start3A_276 = tpu.memref_squeeze %dma_start3A_275 : memref<1x400xi32, #tpu.memory_space<vmem>> -> memref<400xi32, #tpu.memory_space<vmem>>
      %dma_start3A_277 = arith.constant 0 : i32
      %dma_start3A_278 = arith.constant 0 : i32
      %dma_start3A_279 = tpu.memref_slice %arg3[%dma_start3A_277, %dma_start3A_278] : memref<1000000x64xf32, #tpu.memory_space<hbm>> -> memref<1000000x64xf32, #tpu.memory_space<hbm>>
      %dma_start3A_280 = tpu.memref_slice %arg8[%dma_start3A_269] : memref<4x!tpu.dma_semaphore, #tpu.memory_space<semaphore_mem>> -> memref<1x!tpu.dma_semaphore, #tpu.memory_space<semaphore_mem>>
      %dma_start3A_281 = tpu.memref_squeeze %dma_start3A_280 : memref<1x!tpu.dma_semaphore, #tpu.memory_space<semaphore_mem>> -> memref<!tpu.dma_semaphore, #tpu.memory_space<semaphore_mem>>
      tpu.enqueue_indirect_dma source(%dma_start3A_279 : memref<1000000x64xf32, #tpu.memory_space<hbm>>) target(%dma_start3A_273 : memref<400x64xf32, #tpu.memory_space<vmem>>) offsets(%dma_start3A_276 : memref<400xi32, #tpu.memory_space<vmem>>) semaphore(%dma_start3A_281 : memref<!tpu.dma_semaphore, #tpu.memory_space<semaphore_mem>>)
      %add3A_282 = arith.constant 0 : i32
      %add3A_283 = arith.addi %mul3A_136, %add3A_282 : i32
      %dma_wait3A_284 = arith.constant 0 : i32
      %dma_wait3A_285 = arith.constant 0 : i32
      %dma_wait3A_286 = arith.constant 0 : i32
      %dma_wait3A_287 = arith.constant 0 : i32
      %dma_wait3A_288 = arith.constant 0 : i32
      %dma_wait3A_289 = tpu.memref_slice %arg6[%dma_wait3A_285, %dma_wait3A_287, %dma_wait3A_288] : memref<4x400x64xf32, #tpu.memory_space<vmem>> -> memref<1x400x64xf32, #tpu.memory_space<vmem>>
      %dma_wait3A_290 = tpu.memref_squeeze %dma_wait3A_289 : memref<1x400x64xf32, #tpu.memory_space<vmem>> -> memref<400x64xf32, #tpu.memory_space<vmem>>
      %dma_wait3A_291 = arith.constant 0 : i32
      %dma_wait3A_292 = tpu.memref_slice %arg5[%dma_wait3A_284, %dma_wait3A_291] : memref<4x400xi32, #tpu.memory_space<vmem>> -> memref<1x400xi32, #tpu.memory_space<vmem>>
      %dma_wait3A_293 = tpu.memref_squeeze %dma_wait3A_292 : memref<1x400xi32, #tpu.memory_space<vmem>> -> memref<400xi32, #tpu.memory_space<vmem>>
      %dma_wait3A_294 = arith.constant 0 : i32
      %dma_wait3A_295 = arith.constant 0 : i32
      %dma_wait3A_296 = tpu.memref_slice %arg3[%dma_wait3A_294, %dma_wait3A_295] : memref<1000000x64xf32, #tpu.memory_space<hbm>> -> memref<1000000x64xf32, #tpu.memory_space<hbm>>
      %dma_wait3A_297 = tpu.memref_slice %arg8[%dma_wait3A_286] : memref<4x!tpu.dma_semaphore, #tpu.memory_space<semaphore_mem>> -> memref<1x!tpu.dma_semaphore, #tpu.memory_space<semaphore_mem>>
      %dma_wait3A_298 = tpu.memref_squeeze %dma_wait3A_297 : memref<1x!tpu.dma_semaphore, #tpu.memory_space<semaphore_mem>> -> memref<!tpu.dma_semaphore, #tpu.memory_space<semaphore_mem>>
      tpu.wait_indirect_dma semaphore(%dma_wait3A_298 : memref<!tpu.dma_semaphore, #tpu.memory_space<semaphore_mem>>) src(%dma_wait3A_296 : memref<1000000x64xf32, #tpu.memory_space<hbm>>) dst(%dma_wait3A_290 : memref<400x64xf32, #tpu.memory_space<vmem>>)
      %mul3A_299 = arith.constant 400 : i32
      %mul3A_300 = arith.muli %add3A_283, %mul3A_299 : i32
      %add3A_301 = arith.addi %mul3A_2, %mul3A_300 : i32
      %dma_start3A_302 = arith.constant 0 : i32
      %dma_start3A_303 = arith.constant 0 : i32
      %dma_start3A_304 = arith.constant 0 : i32
      %dma_start3A_305 = arith.constant 0 : i32
      %dma_start3A_306 = tpu.memref_slice %arg6[%dma_start3A_302, %dma_start3A_304, %dma_start3A_305] : memref<4x400x64xf32, #tpu.memory_space<vmem>> -> memref<1x400x64xf32, #tpu.memory_space<vmem>>
      %dma_start3A_307 = tpu.memref_squeeze %dma_start3A_306 : memref<1x400x64xf32, #tpu.memory_space<vmem>> -> memref<400x64xf32, #tpu.memory_space<vmem>>
      %dma_start3A_308 = arith.constant 0 : i32
      %dma_start3A_309 = tpu.memref_slice %arg4[%add3A_301, %dma_start3A_308] : memref<819200x64xf32, #tpu.memory_space<hbm>> -> memref<400x64xf32, #tpu.memory_space<hbm>>
      %dma_start3A_310 = tpu.memref_slice %arg9[%dma_start3A_303] : memref<4x!tpu.dma_semaphore, #tpu.memory_space<semaphore_mem>> -> memref<1x!tpu.dma_semaphore, #tpu.memory_space<semaphore_mem>>
      %dma_start3A_311 = tpu.memref_squeeze %dma_start3A_310 : memref<1x!tpu.dma_semaphore, #tpu.memory_space<semaphore_mem>> -> memref<!tpu.dma_semaphore, #tpu.memory_space<semaphore_mem>>
      %dma_start3A_312 = arith.constant 0 : i32
      %dma_start3A_313 = tpu.memref_slice %arg4[%add3A_301, %dma_start3A_312] : memref<819200x64xf32, #tpu.memory_space<hbm>> -> memref<400x64xf32, #tpu.memory_space<hbm>>
      %dma_start3A_314 = arith.constant 0 : i32
      %dma_start3A_315 = arith.constant 0 : i32
      %dma_start3A_316 = tpu.memref_slice %arg6[%dma_start3A_302, %dma_start3A_314, %dma_start3A_315] : memref<4x400x64xf32, #tpu.memory_space<vmem>> -> memref<1x400x64xf32, #tpu.memory_space<vmem>>
      %dma_start3A_317 = tpu.memref_squeeze %dma_start3A_316 : memref<1x400x64xf32, #tpu.memory_space<vmem>> -> memref<400x64xf32, #tpu.memory_space<vmem>>
      tpu.enqueue_dma source(%dma_start3A_317 : memref<400x64xf32, #tpu.memory_space<vmem>>) target(%dma_start3A_313 : memref<400x64xf32, #tpu.memory_space<hbm>>) target_semaphore(%dma_start3A_311 : memref<!tpu.dma_semaphore, #tpu.memory_space<semaphore_mem>>)
      %add3A_318 = arith.constant 4 : i32
      %add3A_319 = arith.addi %mul3A_136, %add3A_318 : i32
      %lt3A = arith.constant 64 : i32
      %lt3A_320 = arith.cmpi slt, %add3A_319, %lt3A : i32
      %convert_element_type3A_321 = arith.extui %lt3A_320 : i1 to i32
      %cond3A_322 = arith.constant 0 : i32
      %cond3A_323 = arith.cmpi ne, %convert_element_type3A_321, %cond3A_322 : i32
      scf.if %cond3A_323 {
        %add3A_453 = arith.constant 4 : i32
        %add3A_454 = arith.addi %add3A_283, %add3A_453 : i32
        %mul3A_455 = arith.constant 400 : i32
        %mul3A_456 = arith.muli %add3A_454, %mul3A_455 : i32
        %add3A_457 = arith.addi %mul3A_2, %mul3A_456 : i32
        %dma_start3A_458 = arith.constant 0 : i32
        %dma_start3A_459 = arith.constant 0 : i32
        %dma_start3A_460 = arith.constant 0 : i32
        %dma_start3A_461 = tpu.memref_slice %arg5[%dma_start3A_458, %dma_start3A_460] : memref<4x400xi32, #tpu.memory_space<vmem>> -> memref<1x400xi32, #tpu.memory_space<vmem>>
        %dma_start3A_462 = tpu.memref_squeeze %dma_start3A_461 : memref<1x400xi32, #tpu.memory_space<vmem>> -> memref<400xi32, #tpu.memory_space<vmem>>
        %dma_start3A_463 = tpu.memref_slice %arg2[%add3A_457] : memref<819200xi32, #tpu.memory_space<hbm>> -> memref<400xi32, #tpu.memory_space<hbm>>
        %dma_start3A_464 = tpu.memref_slice %arg7[%dma_start3A_459] : memref<4x!tpu.dma_semaphore, #tpu.memory_space<semaphore_mem>> -> memref<1x!tpu.dma_semaphore, #tpu.memory_space<semaphore_mem>>
        %dma_start3A_465 = tpu.memref_squeeze %dma_start3A_464 : memref<1x!tpu.dma_semaphore, #tpu.memory_space<semaphore_mem>> -> memref<!tpu.dma_semaphore, #tpu.memory_space<semaphore_mem>>
        %dma_start3A_466 = arith.constant 0 : i32
        %dma_start3A_467 = tpu.memref_slice %arg5[%dma_start3A_458, %dma_start3A_466] : memref<4x400xi32, #tpu.memory_space<vmem>> -> memref<1x400xi32, #tpu.memory_space<vmem>>
        %dma_start3A_468 = tpu.memref_squeeze %dma_start3A_467 : memref<1x400xi32, #tpu.memory_space<vmem>> -> memref<400xi32, #tpu.memory_space<vmem>>
        %dma_start3A_469 = tpu.memref_slice %arg2[%add3A_457] : memref<819200xi32, #tpu.memory_space<hbm>> -> memref<400xi32, #tpu.memory_space<hbm>>
        tpu.enqueue_dma source(%dma_start3A_469 : memref<400xi32, #tpu.memory_space<hbm>>) target(%dma_start3A_468 : memref<400xi32, #tpu.memory_space<vmem>>) target_semaphore(%dma_start3A_465 : memref<!tpu.dma_semaphore, #tpu.memory_space<semaphore_mem>>)
      } else {
      }
      %add3A_324 = arith.constant 1 : i32
      %add3A_325 = arith.addi %mul3A_136, %add3A_324 : i32
      %dma_wait3A_326 = arith.constant 1 : i32
      %dma_wait3A_327 = arith.constant 1 : i32
      %dma_wait3A_328 = arith.constant 1 : i32
      %dma_wait3A_329 = arith.constant 0 : i32
      %dma_wait3A_330 = arith.constant 0 : i32
      %dma_wait3A_331 = tpu.memref_slice %arg6[%dma_wait3A_327, %dma_wait3A_329, %dma_wait3A_330] : memref<4x400x64xf32, #tpu.memory_space<vmem>> -> memref<1x400x64xf32, #tpu.memory_space<vmem>>
      %dma_wait3A_332 = tpu.memref_squeeze %dma_wait3A_331 : memref<1x400x64xf32, #tpu.memory_space<vmem>> -> memref<400x64xf32, #tpu.memory_space<vmem>>
      %dma_wait3A_333 = arith.constant 0 : i32
      %dma_wait3A_334 = tpu.memref_slice %arg5[%dma_wait3A_326, %dma_wait3A_333] : memref<4x400xi32, #tpu.memory_space<vmem>> -> memref<1x400xi32, #tpu.memory_space<vmem>>
      %dma_wait3A_335 = tpu.memref_squeeze %dma_wait3A_334 : memref<1x400xi32, #tpu.memory_space<vmem>> -> memref<400xi32, #tpu.memory_space<vmem>>
      %dma_wait3A_336 = arith.constant 0 : i32
      %dma_wait3A_337 = arith.constant 0 : i32
      %dma_wait3A_338 = tpu.memref_slice %arg3[%dma_wait3A_336, %dma_wait3A_337] : memref<1000000x64xf32, #tpu.memory_space<hbm>> -> memref<1000000x64xf32, #tpu.memory_space<hbm>>
      %dma_wait3A_339 = tpu.memref_slice %arg8[%dma_wait3A_328] : memref<4x!tpu.dma_semaphore, #tpu.memory_space<semaphore_mem>> -> memref<1x!tpu.dma_semaphore, #tpu.memory_space<semaphore_mem>>
      %dma_wait3A_340 = tpu.memref_squeeze %dma_wait3A_339 : memref<1x!tpu.dma_semaphore, #tpu.memory_space<semaphore_mem>> -> memref<!tpu.dma_semaphore, #tpu.memory_space<semaphore_mem>>
      tpu.wait_indirect_dma semaphore(%dma_wait3A_340 : memref<!tpu.dma_semaphore, #tpu.memory_space<semaphore_mem>>) src(%dma_wait3A_338 : memref<1000000x64xf32, #tpu.memory_space<hbm>>) dst(%dma_wait3A_332 : memref<400x64xf32, #tpu.memory_space<vmem>>)
      %mul3A_341 = arith.constant 400 : i32
      %mul3A_342 = arith.muli %add3A_325, %mul3A_341 : i32
      %add3A_343 = arith.addi %mul3A_2, %mul3A_342 : i32
      %dma_start3A_344 = arith.constant 1 : i32
      %dma_start3A_345 = arith.constant 1 : i32
      %dma_start3A_346 = arith.constant 0 : i32
      %dma_start3A_347 = arith.constant 0 : i32
      %dma_start3A_348 = tpu.memref_slice %arg6[%dma_start3A_344, %dma_start3A_346, %dma_start3A_347] : memref<4x400x64xf32, #tpu.memory_space<vmem>> -> memref<1x400x64xf32, #tpu.memory_space<vmem>>
      %dma_start3A_349 = tpu.memref_squeeze %dma_start3A_348 : memref<1x400x64xf32, #tpu.memory_space<vmem>> -> memref<400x64xf32, #tpu.memory_space<vmem>>
      %dma_start3A_350 = arith.constant 0 : i32
      %dma_start3A_351 = tpu.memref_slice %arg4[%add3A_343, %dma_start3A_350] : memref<819200x64xf32, #tpu.memory_space<hbm>> -> memref<400x64xf32, #tpu.memory_space<hbm>>
      %dma_start3A_352 = tpu.memref_slice %arg9[%dma_start3A_345] : memref<4x!tpu.dma_semaphore, #tpu.memory_space<semaphore_mem>> -> memref<1x!tpu.dma_semaphore, #tpu.memory_space<semaphore_mem>>
      %dma_start3A_353 = tpu.memref_squeeze %dma_start3A_352 : memref<1x!tpu.dma_semaphore, #tpu.memory_space<semaphore_mem>> -> memref<!tpu.dma_semaphore, #tpu.memory_space<semaphore_mem>>
      %dma_start3A_354 = arith.constant 0 : i32
      %dma_start3A_355 = tpu.memref_slice %arg4[%add3A_343, %dma_start3A_354] : memref<819200x64xf32, #tpu.memory_space<hbm>> -> memref<400x64xf32, #tpu.memory_space<hbm>>
      %dma_start3A_356 = arith.constant 0 : i32
      %dma_start3A_357 = arith.constant 0 : i32
      %dma_start3A_358 = tpu.memref_slice %arg6[%dma_start3A_344, %dma_start3A_356, %dma_start3A_357] : memref<4x400x64xf32, #tpu.memory_space<vmem>> -> memref<1x400x64xf32, #tpu.memory_space<vmem>>
      %dma_start3A_359 = tpu.memref_squeeze %dma_start3A_358 : memref<1x400x64xf32, #tpu.memory_space<vmem>> -> memref<400x64xf32, #tpu.memory_space<vmem>>
      tpu.enqueue_dma source(%dma_start3A_359 : memref<400x64xf32, #tpu.memory_space<vmem>>) target(%dma_start3A_355 : memref<400x64xf32, #tpu.memory_space<hbm>>) target_semaphore(%dma_start3A_353 : memref<!tpu.dma_semaphore, #tpu.memory_space<semaphore_mem>>)
      %add3A_360 = arith.constant 4 : i32
      %add3A_361 = arith.addi %mul3A_136, %add3A_360 : i32
      %lt3A_362 = arith.constant 64 : i32
      %lt3A_363 = arith.cmpi slt, %add3A_361, %lt3A_362 : i32
      %convert_element_type3A_364 = arith.extui %lt3A_363 : i1 to i32
      %cond3A_365 = arith.constant 0 : i32
      %cond3A_366 = arith.cmpi ne, %convert_element_type3A_364, %cond3A_365 : i32
      scf.if %cond3A_366 {
        %add3A_453 = arith.constant 4 : i32
        %add3A_454 = arith.addi %add3A_325, %add3A_453 : i32
        %mul3A_455 = arith.constant 400 : i32
        %mul3A_456 = arith.muli %add3A_454, %mul3A_455 : i32
        %add3A_457 = arith.addi %mul3A_2, %mul3A_456 : i32
        %dma_start3A_458 = arith.constant 1 : i32
        %dma_start3A_459 = arith.constant 1 : i32
        %dma_start3A_460 = arith.constant 0 : i32
        %dma_start3A_461 = tpu.memref_slice %arg5[%dma_start3A_458, %dma_start3A_460] : memref<4x400xi32, #tpu.memory_space<vmem>> -> memref<1x400xi32, #tpu.memory_space<vmem>>
        %dma_start3A_462 = tpu.memref_squeeze %dma_start3A_461 : memref<1x400xi32, #tpu.memory_space<vmem>> -> memref<400xi32, #tpu.memory_space<vmem>>
        %dma_start3A_463 = tpu.memref_slice %arg2[%add3A_457] : memref<819200xi32, #tpu.memory_space<hbm>> -> memref<400xi32, #tpu.memory_space<hbm>>
        %dma_start3A_464 = tpu.memref_slice %arg7[%dma_start3A_459] : memref<4x!tpu.dma_semaphore, #tpu.memory_space<semaphore_mem>> -> memref<1x!tpu.dma_semaphore, #tpu.memory_space<semaphore_mem>>
        %dma_start3A_465 = tpu.memref_squeeze %dma_start3A_464 : memref<1x!tpu.dma_semaphore, #tpu.memory_space<semaphore_mem>> -> memref<!tpu.dma_semaphore, #tpu.memory_space<semaphore_mem>>
        %dma_start3A_466 = arith.constant 0 : i32
        %dma_start3A_467 = tpu.memref_slice %arg5[%dma_start3A_458, %dma_start3A_466] : memref<4x400xi32, #tpu.memory_space<vmem>> -> memref<1x400xi32, #tpu.memory_space<vmem>>
        %dma_start3A_468 = tpu.memref_squeeze %dma_start3A_467 : memref<1x400xi32, #tpu.memory_space<vmem>> -> memref<400xi32, #tpu.memory_space<vmem>>
        %dma_start3A_469 = tpu.memref_slice %arg2[%add3A_457] : memref<819200xi32, #tpu.memory_space<hbm>> -> memref<400xi32, #tpu.memory_space<hbm>>
        tpu.enqueue_dma source(%dma_start3A_469 : memref<400xi32, #tpu.memory_space<hbm>>) target(%dma_start3A_468 : memref<400xi32, #tpu.memory_space<vmem>>) target_semaphore(%dma_start3A_465 : memref<!tpu.dma_semaphore, #tpu.memory_space<semaphore_mem>>)
      } else {
      }
      %add3A_367 = arith.constant 2 : i32
      %add3A_368 = arith.addi %mul3A_136, %add3A_367 : i32
      %dma_wait3A_369 = arith.constant 2 : i32
      %dma_wait3A_370 = arith.constant 2 : i32
      %dma_wait3A_371 = arith.constant 2 : i32
      %dma_wait3A_372 = arith.constant 0 : i32
      %dma_wait3A_373 = arith.constant 0 : i32
      %dma_wait3A_374 = tpu.memref_slice %arg6[%dma_wait3A_370, %dma_wait3A_372, %dma_wait3A_373] : memref<4x400x64xf32, #tpu.memory_space<vmem>> -> memref<1x400x64xf32, #tpu.memory_space<vmem>>
      %dma_wait3A_375 = tpu.memref_squeeze %dma_wait3A_374 : memref<1x400x64xf32, #tpu.memory_space<vmem>> -> memref<400x64xf32, #tpu.memory_space<vmem>>
      %dma_wait3A_376 = arith.constant 0 : i32
      %dma_wait3A_377 = tpu.memref_slice %arg5[%dma_wait3A_369, %dma_wait3A_376] : memref<4x400xi32, #tpu.memory_space<vmem>> -> memref<1x400xi32, #tpu.memory_space<vmem>>
      %dma_wait3A_378 = tpu.memref_squeeze %dma_wait3A_377 : memref<1x400xi32, #tpu.memory_space<vmem>> -> memref<400xi32, #tpu.memory_space<vmem>>
      %dma_wait3A_379 = arith.constant 0 : i32
      %dma_wait3A_380 = arith.constant 0 : i32
      %dma_wait3A_381 = tpu.memref_slice %arg3[%dma_wait3A_379, %dma_wait3A_380] : memref<1000000x64xf32, #tpu.memory_space<hbm>> -> memref<1000000x64xf32, #tpu.memory_space<hbm>>
      %dma_wait3A_382 = tpu.memref_slice %arg8[%dma_wait3A_371] : memref<4x!tpu.dma_semaphore, #tpu.memory_space<semaphore_mem>> -> memref<1x!tpu.dma_semaphore, #tpu.memory_space<semaphore_mem>>
      %dma_wait3A_383 = tpu.memref_squeeze %dma_wait3A_382 : memref<1x!tpu.dma_semaphore, #tpu.memory_space<semaphore_mem>> -> memref<!tpu.dma_semaphore, #tpu.memory_space<semaphore_mem>>
      tpu.wait_indirect_dma semaphore(%dma_wait3A_383 : memref<!tpu.dma_semaphore, #tpu.memory_space<semaphore_mem>>) src(%dma_wait3A_381 : memref<1000000x64xf32, #tpu.memory_space<hbm>>) dst(%dma_wait3A_375 : memref<400x64xf32, #tpu.memory_space<vmem>>)
      %mul3A_384 = arith.constant 400 : i32
      %mul3A_385 = arith.muli %add3A_368, %mul3A_384 : i32
      %add3A_386 = arith.addi %mul3A_2, %mul3A_385 : i32
      %dma_start3A_387 = arith.constant 2 : i32
      %dma_start3A_388 = arith.constant 2 : i32
      %dma_start3A_389 = arith.constant 0 : i32
      %dma_start3A_390 = arith.constant 0 : i32
      %dma_start3A_391 = tpu.memref_slice %arg6[%dma_start3A_387, %dma_start3A_389, %dma_start3A_390] : memref<4x400x64xf32, #tpu.memory_space<vmem>> -> memref<1x400x64xf32, #tpu.memory_space<vmem>>
      %dma_start3A_392 = tpu.memref_squeeze %dma_start3A_391 : memref<1x400x64xf32, #tpu.memory_space<vmem>> -> memref<400x64xf32, #tpu.memory_space<vmem>>
      %dma_start3A_393 = arith.constant 0 : i32
      %dma_start3A_394 = tpu.memref_slice %arg4[%add3A_386, %dma_start3A_393] : memref<819200x64xf32, #tpu.memory_space<hbm>> -> memref<400x64xf32, #tpu.memory_space<hbm>>
      %dma_start3A_395 = tpu.memref_slice %arg9[%dma_start3A_388] : memref<4x!tpu.dma_semaphore, #tpu.memory_space<semaphore_mem>> -> memref<1x!tpu.dma_semaphore, #tpu.memory_space<semaphore_mem>>
      %dma_start3A_396 = tpu.memref_squeeze %dma_start3A_395 : memref<1x!tpu.dma_semaphore, #tpu.memory_space<semaphore_mem>> -> memref<!tpu.dma_semaphore, #tpu.memory_space<semaphore_mem>>
      %dma_start3A_397 = arith.constant 0 : i32
      %dma_start3A_398 = tpu.memref_slice %arg4[%add3A_386, %dma_start3A_397] : memref<819200x64xf32, #tpu.memory_space<hbm>> -> memref<400x64xf32, #tpu.memory_space<hbm>>
      %dma_start3A_399 = arith.constant 0 : i32
      %dma_start3A_400 = arith.constant 0 : i32
      %dma_start3A_401 = tpu.memref_slice %arg6[%dma_start3A_387, %dma_start3A_399, %dma_start3A_400] : memref<4x400x64xf32, #tpu.memory_space<vmem>> -> memref<1x400x64xf32, #tpu.memory_space<vmem>>
      %dma_start3A_402 = tpu.memref_squeeze %dma_start3A_401 : memref<1x400x64xf32, #tpu.memory_space<vmem>> -> memref<400x64xf32, #tpu.memory_space<vmem>>
      tpu.enqueue_dma source(%dma_start3A_402 : memref<400x64xf32, #tpu.memory_space<vmem>>) target(%dma_start3A_398 : memref<400x64xf32, #tpu.memory_space<hbm>>) target_semaphore(%dma_start3A_396 : memref<!tpu.dma_semaphore, #tpu.memory_space<semaphore_mem>>)
      %add3A_403 = arith.constant 4 : i32
      %add3A_404 = arith.addi %mul3A_136, %add3A_403 : i32
      %lt3A_405 = arith.constant 64 : i32
      %lt3A_406 = arith.cmpi slt, %add3A_404, %lt3A_405 : i32
      %convert_element_type3A_407 = arith.extui %lt3A_406 : i1 to i32
      %cond3A_408 = arith.constant 0 : i32
      %cond3A_409 = arith.cmpi ne, %convert_element_type3A_407, %cond3A_408 : i32
      scf.if %cond3A_409 {
        %add3A_453 = arith.constant 4 : i32
        %add3A_454 = arith.addi %add3A_368, %add3A_453 : i32
        %mul3A_455 = arith.constant 400 : i32
        %mul3A_456 = arith.muli %add3A_454, %mul3A_455 : i32
        %add3A_457 = arith.addi %mul3A_2, %mul3A_456 : i32
        %dma_start3A_458 = arith.constant 2 : i32
        %dma_start3A_459 = arith.constant 2 : i32
        %dma_start3A_460 = arith.constant 0 : i32
        %dma_start3A_461 = tpu.memref_slice %arg5[%dma_start3A_458, %dma_start3A_460] : memref<4x400xi32, #tpu.memory_space<vmem>> -> memref<1x400xi32, #tpu.memory_space<vmem>>
        %dma_start3A_462 = tpu.memref_squeeze %dma_start3A_461 : memref<1x400xi32, #tpu.memory_space<vmem>> -> memref<400xi32, #tpu.memory_space<vmem>>
        %dma_start3A_463 = tpu.memref_slice %arg2[%add3A_457] : memref<819200xi32, #tpu.memory_space<hbm>> -> memref<400xi32, #tpu.memory_space<hbm>>
        %dma_start3A_464 = tpu.memref_slice %arg7[%dma_start3A_459] : memref<4x!tpu.dma_semaphore, #tpu.memory_space<semaphore_mem>> -> memref<1x!tpu.dma_semaphore, #tpu.memory_space<semaphore_mem>>
        %dma_start3A_465 = tpu.memref_squeeze %dma_start3A_464 : memref<1x!tpu.dma_semaphore, #tpu.memory_space<semaphore_mem>> -> memref<!tpu.dma_semaphore, #tpu.memory_space<semaphore_mem>>
        %dma_start3A_466 = arith.constant 0 : i32
        %dma_start3A_467 = tpu.memref_slice %arg5[%dma_start3A_458, %dma_start3A_466] : memref<4x400xi32, #tpu.memory_space<vmem>> -> memref<1x400xi32, #tpu.memory_space<vmem>>
        %dma_start3A_468 = tpu.memref_squeeze %dma_start3A_467 : memref<1x400xi32, #tpu.memory_space<vmem>> -> memref<400xi32, #tpu.memory_space<vmem>>
        %dma_start3A_469 = tpu.memref_slice %arg2[%add3A_457] : memref<819200xi32, #tpu.memory_space<hbm>> -> memref<400xi32, #tpu.memory_space<hbm>>
        tpu.enqueue_dma source(%dma_start3A_469 : memref<400xi32, #tpu.memory_space<hbm>>) target(%dma_start3A_468 : memref<400xi32, #tpu.memory_space<vmem>>) target_semaphore(%dma_start3A_465 : memref<!tpu.dma_semaphore, #tpu.memory_space<semaphore_mem>>)
      } else {
      }
      %add3A_410 = arith.constant 3 : i32
      %add3A_411 = arith.addi %mul3A_136, %add3A_410 : i32
      %dma_wait3A_412 = arith.constant 3 : i32
      %dma_wait3A_413 = arith.constant 3 : i32
      %dma_wait3A_414 = arith.constant 3 : i32
      %dma_wait3A_415 = arith.constant 0 : i32
      %dma_wait3A_416 = arith.constant 0 : i32
      %dma_wait3A_417 = tpu.memref_slice %arg6[%dma_wait3A_413, %dma_wait3A_415, %dma_wait3A_416] : memref<4x400x64xf32, #tpu.memory_space<vmem>> -> memref<1x400x64xf32, #tpu.memory_space<vmem>>
      %dma_wait3A_418 = tpu.memref_squeeze %dma_wait3A_417 : memref<1x400x64xf32, #tpu.memory_space<vmem>> -> memref<400x64xf32, #tpu.memory_space<vmem>>
      %dma_wait3A_419 = arith.constant 0 : i32
      %dma_wait3A_420 = tpu.memref_slice %arg5[%dma_wait3A_412, %dma_wait3A_419] : memref<4x400xi32, #tpu.memory_space<vmem>> -> memref<1x400xi32, #tpu.memory_space<vmem>>
      %dma_wait3A_421 = tpu.memref_squeeze %dma_wait3A_420 : memref<1x400xi32, #tpu.memory_space<vmem>> -> memref<400xi32, #tpu.memory_space<vmem>>
      %dma_wait3A_422 = arith.constant 0 : i32
      %dma_wait3A_423 = arith.constant 0 : i32
      %dma_wait3A_424 = tpu.memref_slice %arg3[%dma_wait3A_422, %dma_wait3A_423] : memref<1000000x64xf32, #tpu.memory_space<hbm>> -> memref<1000000x64xf32, #tpu.memory_space<hbm>>
      %dma_wait3A_425 = tpu.memref_slice %arg8[%dma_wait3A_414] : memref<4x!tpu.dma_semaphore, #tpu.memory_space<semaphore_mem>> -> memref<1x!tpu.dma_semaphore, #tpu.memory_space<semaphore_mem>>
      %dma_wait3A_426 = tpu.memref_squeeze %dma_wait3A_425 : memref<1x!tpu.dma_semaphore, #tpu.memory_space<semaphore_mem>> -> memref<!tpu.dma_semaphore, #tpu.memory_space<semaphore_mem>>
      tpu.wait_indirect_dma semaphore(%dma_wait3A_426 : memref<!tpu.dma_semaphore, #tpu.memory_space<semaphore_mem>>) src(%dma_wait3A_424 : memref<1000000x64xf32, #tpu.memory_space<hbm>>) dst(%dma_wait3A_418 : memref<400x64xf32, #tpu.memory_space<vmem>>)
      %mul3A_427 = arith.constant 400 : i32
      %mul3A_428 = arith.muli %add3A_411, %mul3A_427 : i32
      %add3A_429 = arith.addi %mul3A_2, %mul3A_428 : i32
      %dma_start3A_430 = arith.constant 3 : i32
      %dma_start3A_431 = arith.constant 3 : i32
      %dma_start3A_432 = arith.constant 0 : i32
      %dma_start3A_433 = arith.constant 0 : i32
      %dma_start3A_434 = tpu.memref_slice %arg6[%dma_start3A_430, %dma_start3A_432, %dma_start3A_433] : memref<4x400x64xf32, #tpu.memory_space<vmem>> -> memref<1x400x64xf32, #tpu.memory_space<vmem>>
      %dma_start3A_435 = tpu.memref_squeeze %dma_start3A_434 : memref<1x400x64xf32, #tpu.memory_space<vmem>> -> memref<400x64xf32, #tpu.memory_space<vmem>>
      %dma_start3A_436 = arith.constant 0 : i32
      %dma_start3A_437 = tpu.memref_slice %arg4[%add3A_429, %dma_start3A_436] : memref<819200x64xf32, #tpu.memory_space<hbm>> -> memref<400x64xf32, #tpu.memory_space<hbm>>
      %dma_start3A_438 = tpu.memref_slice %arg9[%dma_start3A_431] : memref<4x!tpu.dma_semaphore, #tpu.memory_space<semaphore_mem>> -> memref<1x!tpu.dma_semaphore, #tpu.memory_space<semaphore_mem>>
      %dma_start3A_439 = tpu.memref_squeeze %dma_start3A_438 : memref<1x!tpu.dma_semaphore, #tpu.memory_space<semaphore_mem>> -> memref<!tpu.dma_semaphore, #tpu.memory_space<semaphore_mem>>
      %dma_start3A_440 = arith.constant 0 : i32
      %dma_start3A_441 = tpu.memref_slice %arg4[%add3A_429, %dma_start3A_440] : memref<819200x64xf32, #tpu.memory_space<hbm>> -> memref<400x64xf32, #tpu.memory_space<hbm>>
      %dma_start3A_442 = arith.constant 0 : i32
      %dma_start3A_443 = arith.constant 0 : i32
      %dma_start3A_444 = tpu.memref_slice %arg6[%dma_start3A_430, %dma_start3A_442, %dma_start3A_443] : memref<4x400x64xf32, #tpu.memory_space<vmem>> -> memref<1x400x64xf32, #tpu.memory_space<vmem>>
      %dma_start3A_445 = tpu.memref_squeeze %dma_start3A_444 : memref<1x400x64xf32, #tpu.memory_space<vmem>> -> memref<400x64xf32, #tpu.memory_space<vmem>>
      tpu.enqueue_dma source(%dma_start3A_445 : memref<400x64xf32, #tpu.memory_space<vmem>>) target(%dma_start3A_441 : memref<400x64xf32, #tpu.memory_space<hbm>>) target_semaphore(%dma_start3A_439 : memref<!tpu.dma_semaphore, #tpu.memory_space<semaphore_mem>>)
      %add3A_446 = arith.constant 4 : i32
      %add3A_447 = arith.addi %mul3A_136, %add3A_446 : i32
      %lt3A_448 = arith.constant 64 : i32
      %lt3A_449 = arith.cmpi slt, %add3A_447, %lt3A_448 : i32
      %convert_element_type3A_450 = arith.extui %lt3A_449 : i1 to i32
      %cond3A_451 = arith.constant 0 : i32
      %cond3A_452 = arith.cmpi ne, %convert_element_type3A_450, %cond3A_451 : i32
      scf.if %cond3A_452 {
        %add3A_453 = arith.constant 4 : i32
        %add3A_454 = arith.addi %add3A_411, %add3A_453 : i32
        %mul3A_455 = arith.constant 400 : i32
        %mul3A_456 = arith.muli %add3A_454, %mul3A_455 : i32
        %add3A_457 = arith.addi %mul3A_2, %mul3A_456 : i32
        %dma_start3A_458 = arith.constant 3 : i32
        %dma_start3A_459 = arith.constant 3 : i32
        %dma_start3A_460 = arith.constant 0 : i32
        %dma_start3A_461 = tpu.memref_slice %arg5[%dma_start3A_458, %dma_start3A_460] : memref<4x400xi32, #tpu.memory_space<vmem>> -> memref<1x400xi32, #tpu.memory_space<vmem>>
        %dma_start3A_462 = tpu.memref_squeeze %dma_start3A_461 : memref<1x400xi32, #tpu.memory_space<vmem>> -> memref<400xi32, #tpu.memory_space<vmem>>
        %dma_start3A_463 = tpu.memref_slice %arg2[%add3A_457] : memref<819200xi32, #tpu.memory_space<hbm>> -> memref<400xi32, #tpu.memory_space<hbm>>
        %dma_start3A_464 = tpu.memref_slice %arg7[%dma_start3A_459] : memref<4x!tpu.dma_semaphore, #tpu.memory_space<semaphore_mem>> -> memref<1x!tpu.dma_semaphore, #tpu.memory_space<semaphore_mem>>
        %dma_start3A_465 = tpu.memref_squeeze %dma_start3A_464 : memref<1x!tpu.dma_semaphore, #tpu.memory_space<semaphore_mem>> -> memref<!tpu.dma_semaphore, #tpu.memory_space<semaphore_mem>>
        %dma_start3A_466 = arith.constant 0 : i32
        %dma_start3A_467 = tpu.memref_slice %arg5[%dma_start3A_458, %dma_start3A_466] : memref<4x400xi32, #tpu.memory_space<vmem>> -> memref<1x400xi32, #tpu.memory_space<vmem>>
        %dma_start3A_468 = tpu.memref_squeeze %dma_start3A_467 : memref<1x400xi32, #tpu.memory_space<vmem>> -> memref<400xi32, #tpu.memory_space<vmem>>
        %dma_start3A_469 = tpu.memref_slice %arg2[%add3A_457] : memref<819200xi32, #tpu.memory_space<hbm>> -> memref<400xi32, #tpu.memory_space<hbm>>
        tpu.enqueue_dma source(%dma_start3A_469 : memref<400xi32, #tpu.memory_space<hbm>>) target(%dma_start3A_468 : memref<400xi32, #tpu.memory_space<vmem>>) target_semaphore(%dma_start3A_465 : memref<!tpu.dma_semaphore, #tpu.memory_space<semaphore_mem>>)
      } else {
      }
    }
    %scan3A_62 = arith.constant 16 : i32
    %add3A_63 = arith.constant 24000 : i32
    %add3A_64 = arith.addi %mul3A_2, %add3A_63 : i32
    %dma_wait3A = arith.constant 0 : i32
    %dma_wait3A_65 = arith.constant 0 : i32
    %dma_wait3A_66 = arith.constant 0 : i32
    %dma_wait3A_67 = arith.constant 0 : i32
    %dma_wait3A_68 = tpu.memref_slice %arg6[%dma_wait3A, %dma_wait3A_66, %dma_wait3A_67] : memref<4x400x64xf32, #tpu.memory_space<vmem>> -> memref<1x400x64xf32, #tpu.memory_space<vmem>>
    %dma_wait3A_69 = tpu.memref_squeeze %dma_wait3A_68 : memref<1x400x64xf32, #tpu.memory_space<vmem>> -> memref<400x64xf32, #tpu.memory_space<vmem>>
    %dma_wait3A_70 = arith.constant 0 : i32
    %dma_wait3A_71 = tpu.memref_slice %arg4[%add3A_64, %dma_wait3A_70] : memref<819200x64xf32, #tpu.memory_space<hbm>> -> memref<400x64xf32, #tpu.memory_space<hbm>>
    %dma_wait3A_72 = tpu.memref_slice %arg9[%dma_wait3A_65] : memref<4x!tpu.dma_semaphore, #tpu.memory_space<semaphore_mem>> -> memref<1x!tpu.dma_semaphore, #tpu.memory_space<semaphore_mem>>
    %dma_wait3A_73 = tpu.memref_squeeze %dma_wait3A_72 : memref<1x!tpu.dma_semaphore, #tpu.memory_space<semaphore_mem>> -> memref<!tpu.dma_semaphore, #tpu.memory_space<semaphore_mem>>
    %dma_wait3A_74 = arith.constant 0 : i32
    %dma_wait3A_75 = tpu.memref_slice %arg4[%add3A_64, %dma_wait3A_74] : memref<819200x64xf32, #tpu.memory_space<hbm>> -> memref<400x64xf32, #tpu.memory_space<hbm>>
    %dma_wait3A_76 = arith.constant 0 : i32
    %dma_wait3A_77 = arith.constant 0 : i32
    %dma_wait3A_78 = tpu.memref_slice %arg6[%dma_wait3A, %dma_wait3A_76, %dma_wait3A_77] : memref<4x400x64xf32, #tpu.memory_space<vmem>> -> memref<1x400x64xf32, #tpu.memory_space<vmem>>
    %dma_wait3A_79 = tpu.memref_squeeze %dma_wait3A_78 : memref<1x400x64xf32, #tpu.memory_space<vmem>> -> memref<400x64xf32, #tpu.memory_space<vmem>>
    tpu.wait_dma2 semaphore(%dma_wait3A_73 : memref<!tpu.dma_semaphore, #tpu.memory_space<semaphore_mem>>) src(%dma_wait3A_79 : memref<400x64xf32, #tpu.memory_space<vmem>>) dst(%dma_wait3A_75 : memref<400x64xf32, #tpu.memory_space<hbm>>)
    %add3A_80 = arith.constant 24400 : i32
    %add3A_81 = arith.addi %mul3A_2, %add3A_80 : i32
    %dma_wait3A_82 = arith.constant 1 : i32
    %dma_wait3A_83 = arith.constant 1 : i32
    %dma_wait3A_84 = arith.constant 0 : i32
    %dma_wait3A_85 = arith.constant 0 : i32
    %dma_wait3A_86 = tpu.memref_slice %arg6[%dma_wait3A_82, %dma_wait3A_84, %dma_wait3A_85] : memref<4x400x64xf32, #tpu.memory_space<vmem>> -> memref<1x400x64xf32, #tpu.memory_space<vmem>>
    %dma_wait3A_87 = tpu.memref_squeeze %dma_wait3A_86 : memref<1x400x64xf32, #tpu.memory_space<vmem>> -> memref<400x64xf32, #tpu.memory_space<vmem>>
    %dma_wait3A_88 = arith.constant 0 : i32
    %dma_wait3A_89 = tpu.memref_slice %arg4[%add3A_81, %dma_wait3A_88] : memref<819200x64xf32, #tpu.memory_space<hbm>> -> memref<400x64xf32, #tpu.memory_space<hbm>>
    %dma_wait3A_90 = tpu.memref_slice %arg9[%dma_wait3A_83] : memref<4x!tpu.dma_semaphore, #tpu.memory_space<semaphore_mem>> -> memref<1x!tpu.dma_semaphore, #tpu.memory_space<semaphore_mem>>
    %dma_wait3A_91 = tpu.memref_squeeze %dma_wait3A_90 : memref<1x!tpu.dma_semaphore, #tpu.memory_space<semaphore_mem>> -> memref<!tpu.dma_semaphore, #tpu.memory_space<semaphore_mem>>
    %dma_wait3A_92 = arith.constant 0 : i32
    %dma_wait3A_93 = tpu.memref_slice %arg4[%add3A_81, %dma_wait3A_92] : memref<819200x64xf32, #tpu.memory_space<hbm>> -> memref<400x64xf32, #tpu.memory_space<hbm>>
    %dma_wait3A_94 = arith.constant 0 : i32
    %dma_wait3A_95 = arith.constant 0 : i32
    %dma_wait3A_96 = tpu.memref_slice %arg6[%dma_wait3A_82, %dma_wait3A_94, %dma_wait3A_95] : memref<4x400x64xf32, #tpu.memory_space<vmem>> -> memref<1x400x64xf32, #tpu.memory_space<vmem>>
    %dma_wait3A_97 = tpu.memref_squeeze %dma_wait3A_96 : memref<1x400x64xf32, #tpu.memory_space<vmem>> -> memref<400x64xf32, #tpu.memory_space<vmem>>
    tpu.wait_dma2 semaphore(%dma_wait3A_91 : memref<!tpu.dma_semaphore, #tpu.memory_space<semaphore_mem>>) src(%dma_wait3A_97 : memref<400x64xf32, #tpu.memory_space<vmem>>) dst(%dma_wait3A_93 : memref<400x64xf32, #tpu.memory_space<hbm>>)
    %add3A_98 = arith.constant 24800 : i32
    %add3A_99 = arith.addi %mul3A_2, %add3A_98 : i32
    %dma_wait3A_100 = arith.constant 2 : i32
    %dma_wait3A_101 = arith.constant 2 : i32
    %dma_wait3A_102 = arith.constant 0 : i32
    %dma_wait3A_103 = arith.constant 0 : i32
    %dma_wait3A_104 = tpu.memref_slice %arg6[%dma_wait3A_100, %dma_wait3A_102, %dma_wait3A_103] : memref<4x400x64xf32, #tpu.memory_space<vmem>> -> memref<1x400x64xf32, #tpu.memory_space<vmem>>
    %dma_wait3A_105 = tpu.memref_squeeze %dma_wait3A_104 : memref<1x400x64xf32, #tpu.memory_space<vmem>> -> memref<400x64xf32, #tpu.memory_space<vmem>>
    %dma_wait3A_106 = arith.constant 0 : i32
    %dma_wait3A_107 = tpu.memref_slice %arg4[%add3A_99, %dma_wait3A_106] : memref<819200x64xf32, #tpu.memory_space<hbm>> -> memref<400x64xf32, #tpu.memory_space<hbm>>
    %dma_wait3A_108 = tpu.memref_slice %arg9[%dma_wait3A_101] : memref<4x!tpu.dma_semaphore, #tpu.memory_space<semaphore_mem>> -> memref<1x!tpu.dma_semaphore, #tpu.memory_space<semaphore_mem>>
    %dma_wait3A_109 = tpu.memref_squeeze %dma_wait3A_108 : memref<1x!tpu.dma_semaphore, #tpu.memory_space<semaphore_mem>> -> memref<!tpu.dma_semaphore, #tpu.memory_space<semaphore_mem>>
    %dma_wait3A_110 = arith.constant 0 : i32
    %dma_wait3A_111 = tpu.memref_slice %arg4[%add3A_99, %dma_wait3A_110] : memref<819200x64xf32, #tpu.memory_space<hbm>> -> memref<400x64xf32, #tpu.memory_space<hbm>>
    %dma_wait3A_112 = arith.constant 0 : i32
    %dma_wait3A_113 = arith.constant 0 : i32
    %dma_wait3A_114 = tpu.memref_slice %arg6[%dma_wait3A_100, %dma_wait3A_112, %dma_wait3A_113] : memref<4x400x64xf32, #tpu.memory_space<vmem>> -> memref<1x400x64xf32, #tpu.memory_space<vmem>>
    %dma_wait3A_115 = tpu.memref_squeeze %dma_wait3A_114 : memref<1x400x64xf32, #tpu.memory_space<vmem>> -> memref<400x64xf32, #tpu.memory_space<vmem>>
    tpu.wait_dma2 semaphore(%dma_wait3A_109 : memref<!tpu.dma_semaphore, #tpu.memory_space<semaphore_mem>>) src(%dma_wait3A_115 : memref<400x64xf32, #tpu.memory_space<vmem>>) dst(%dma_wait3A_111 : memref<400x64xf32, #tpu.memory_space<hbm>>)
    %add3A_116 = arith.constant 25200 : i32
    %add3A_117 = arith.addi %mul3A_2, %add3A_116 : i32
    %dma_wait3A_118 = arith.constant 3 : i32
    %dma_wait3A_119 = arith.constant 3 : i32
    %dma_wait3A_120 = arith.constant 0 : i32
    %dma_wait3A_121 = arith.constant 0 : i32
    %dma_wait3A_122 = tpu.memref_slice %arg6[%dma_wait3A_118, %dma_wait3A_120, %dma_wait3A_121] : memref<4x400x64xf32, #tpu.memory_space<vmem>> -> memref<1x400x64xf32, #tpu.memory_space<vmem>>
    %dma_wait3A_123 = tpu.memref_squeeze %dma_wait3A_122 : memref<1x400x64xf32, #tpu.memory_space<vmem>> -> memref<400x64xf32, #tpu.memory_space<vmem>>
    %dma_wait3A_124 = arith.constant 0 : i32
    %dma_wait3A_125 = tpu.memref_slice %arg4[%add3A_117, %dma_wait3A_124] : memref<819200x64xf32, #tpu.memory_space<hbm>> -> memref<400x64xf32, #tpu.memory_space<hbm>>
    %dma_wait3A_126 = tpu.memref_slice %arg9[%dma_wait3A_119] : memref<4x!tpu.dma_semaphore, #tpu.memory_space<semaphore_mem>> -> memref<1x!tpu.dma_semaphore, #tpu.memory_space<semaphore_mem>>
    %dma_wait3A_127 = tpu.memref_squeeze %dma_wait3A_126 : memref<1x!tpu.dma_semaphore, #tpu.memory_space<semaphore_mem>> -> memref<!tpu.dma_semaphore, #tpu.memory_space<semaphore_mem>>
    %dma_wait3A_128 = arith.constant 0 : i32
    %dma_wait3A_129 = tpu.memref_slice %arg4[%add3A_117, %dma_wait3A_128] : memref<819200x64xf32, #tpu.memory_space<hbm>> -> memref<400x64xf32, #tpu.memory_space<hbm>>
    %dma_wait3A_130 = arith.constant 0 : i32
    %dma_wait3A_131 = arith.constant 0 : i32
    %dma_wait3A_132 = tpu.memref_slice %arg6[%dma_wait3A_118, %dma_wait3A_130, %dma_wait3A_131] : memref<4x400x64xf32, #tpu.memory_space<vmem>> -> memref<1x400x64xf32, #tpu.memory_space<vmem>>
    %dma_wait3A_133 = tpu.memref_squeeze %dma_wait3A_132 : memref<1x400x64xf32, #tpu.memory_space<vmem>> -> memref<400x64xf32, #tpu.memory_space<vmem>>
    tpu.wait_dma2 semaphore(%dma_wait3A_127 : memref<!tpu.dma_semaphore, #tpu.memory_space<semaphore_mem>>) src(%dma_wait3A_133 : memref<400x64xf32, #tpu.memory_space<vmem>>) dst(%dma_wait3A_129 : memref<400x64xf32, #tpu.memory_space<hbm>>)
    return
  }
}

</mosaic_0001>

<sc_bundles>
// kernel: kernel.3.cloned.1.call-start
scs
__scs_entry_jumppad:
0x0: {  	(pc) =	sbr.rel $0x88, $3  }
0x1: {  	(tag) =	ssettag $0x0;
	lr =	simm.s32 $0x1  }
0x2: {  	[smem:$0x3F9F] =	sst lr;
	_ =	strace $0xD0000000  }
0x3: {  	_ = 	snop  }
0x4: {  	_ = 	snop  }
0x5: {  	_ = 	snop  }
0x6: {  	_ = 	snop  }
0x7: {  	_ = 	snop  }
__scs_overlays_trampoline_lowered:
0x8: {  	[smem:$0x3FAE] =	sst s0  }
0x9: {  	[smem:$0x3FAF] =	sst s1  }
0xa: {  	[smem:$0x3FB0] =	sst s2  }
0xb: {  	[smem:$0x3FB1] =	sst s3  }
0xc: {  	[smem:$0x3FB2] =	sst s4  }
0xd: {  	[smem:$0x3FB3] =	sst s5  }
0xe: {  	[smem:$0x3FB4] =	sst s6  }
0xf: {  	[smem:$0x3FB5] =	sst s7  }
0x10: {  	[smem:$0x3FB6] =	sst s8  }
0x11: {  	[smem:$0x3FB7] =	sst s9;
	s0 =	simm.s32 @!p0 $0x0  }
0x12: {  	s1 =	sld [smem:$0x3F9D];
	s0 =	simm.s32 @p0 $0x1  }
0x13: {  	[smem:$0x3FB8] =	sst s0;
	s0 =	simm.s32 @!p1 $0x0  }
0x14: {  	s2 =	sld [smem:$0x3F9C];
	s0 =	simm.s32 @p1 $0x1  }
0x15: {  	[smem:$0x3FB9] =	sst s0;
	s0 =	simm.s32 @!p2 $0x0  }
0x16: {  	s3 =	sld [smem:$0x3FDB];
	s0 =	simm.s32 @p2 $0x1  }
0x17: {  	s4 =	simm.s32 $0x1BF5;
	[smem:$0x3FBB] =	sst s0  }
0x18: {  	s0 =	sld [smem:$0x3F9E];
	_ =	swait.ge [sflag:s4], $0x0  }
0x19: {  	s7 =	sld [smem:$0x3F9F]  }
0x1a: {  	s8 =	sadd.s32 $0xFFFFE003, lr  }
0x1b: {  	s9 =	sadd.s32 $0xFFFFFEF7, lr;
	s5 =	simm.s32 $0xFFFFFFFF;
	p2 =	slt.u32 s8, $0xFFFFF086  }
0x1c: {  	p1 =	slt.u32 s9, $0xF7A;
	s5 =	simm.s32 @!p2 $0x0  }
0x1d: {  	s5 =	simm.s32 @p1 $0x1;
	p0 =	seq.s32 s7, s2  }
0x1e: {  	s7 =	smul.u32 @!p0 $0xF7A, s2;
	p2 =	seq.s32 @!p0 s5, $0x0  }
0x1f: {  	s9 =	smul.u32 $0xF7A, s1;
	s8 =	simm.s32 @!p0 $0x1BF5;
	p2 =	por !p2, p0  }
0x20: {  	[sflag:s8] =	ssyncset.s32 @!p0 $0xFFFFF086;
	s6 =	sadd.s32 @!p0 s3, s7;
	s7 =	simm.s32 @!p0 $0x108  }
0x21: {  	s3 =	sadd.s32 s3, s9;
	s6 =	sadd.s32 @!p0 $0x88, s6;
	s7 =	simm.s32 @p2 $0x1082  }
0x22: {  	[simem:s7], [sflag:s8] =	dma.local @!p0 [hbm:s6], $0xF7A  }
0x23: {  	s9 =	sor.u32 $0xD0000000, s2;
	s6 =	simm.s32 $0x108;
	_ =	swait.ge @!p0 [sflag:s8], $0x0  }
0x24: {  	s3 =	sadd.s32 $0x88, s3;
	s6 =	simm.s32 @!p1 $0x1082;
	[sflag:s4] =	ssyncset.s32 $0xFFFFF086  }
0x25: {  	[simem:s6], [sflag:s4] =	dma.local [hbm:s3], $0xF7A  }
0x26: {  	[smem:$0x3F9F] =	sst s1;
	(tag) =	ssettag s2;
	_ =	strace s9  }
0x27: {  	s1 =	sld [smem:$0x3FAF]  }
0x28: {  	s2 =	sld [smem:$0x3FB0]  }
0x29: {  	s4 =	sld [smem:$0x3FB2]  }
0x2a: {  	p0 =	seq.s32 s5, $0x0;
	s5 =	sld [smem:$0x3FB3]  }
0x2b: {  	s6 =	sld [smem:$0x3FB4]  }
0x2c: {  	s7 =	sld [smem:$0x3FB5]  }
0x2d: {  	s3 =	simm.s32 $0x108;
	s8 =	sld [smem:$0x3FB6]  }
0x2e: {  	s3 =	simm.s32 @!p0 $0x1082;
	s9 =	sld [smem:$0x3FB7]  }
0x2f: {  	lr =	sadd.s32 s0, s3;
	s0 =	sld [smem:$0x3FAE]  }
0x30: {  	s3 =	sld [smem:$0x3FB1]  }
0x31: {  	[smem:$0x3FBA] =	sst s10  }
0x32: {  	s10 =	sld [smem:$0x3FB8];
	_ =	sdelay $0x3  }
0x33: {  	p0 =	seq.s32 s10, $0x1;
	s10 =	sld [smem:$0x3FBA];
	_ =	sdelay $0x3  }
0x34: {  	[smem:$0x3FBA] =	sst s10  }
0x35: {  	s10 =	sld [smem:$0x3FB9];
	_ =	sdelay $0x3  }
0x36: {  	p1 =	seq.s32 s10, $0x1;
	s10 =	sld [smem:$0x3FBA];
	_ =	sdelay $0x3  }
0x37: {  	[smem:$0x3FBA] =	sst s10  }
0x38: {  	s10 =	sld [smem:$0x3FBB]  }
0x39: {  	_ = 	snop;
	(pc) =	sbr.ind lr, $3  }
0x3a: {  	_ = 	snop  }
0x3b: {  	_ = 	snop  }
0x3c: {  	p2 =	seq.s32 s10, $0x1;
	s10 =	sld [smem:$0x3FBA]  }
0x3d: {  	_ =	shalt  }
0x3e: {  	_ =	shalt  }
0x3f: {  	_ =	shalt  }
0x40: {  	_ =	shalt  }
0x41: {  	_ =	shalt  }
0x42: {  	_ =	shalt  }
0x43: {  	_ =	shalt  }
0x44: {  	_ =	shalt  }
0x45: {  	_ =	shalt  }
0x46: {  	_ =	shalt  }
0x47: {  	_ =	shalt  }
0x48: {  	_ =	shalt  }
0x49: {  	_ =	shalt  }
0x4a: {  	_ =	shalt  }
0x4b: {  	_ =	shalt  }
0x4c: {  	_ =	shalt  }
0x4d: {  	_ =	shalt  }
0x4e: {  	_ =	shalt  }
0x4f: {  	_ =	shalt  }
0x50: {  	_ =	shalt  }
0x51: {  	_ =	shalt  }
0x52: {  	_ =	shalt  }
0x53: {  	_ =	shalt  }
0x54: {  	_ =	shalt  }
0x55: {  	_ =	shalt  }
0x56: {  	_ =	shalt  }
0x57: {  	_ =	shalt  }
0x58: {  	_ =	shalt  }
0x59: {  	_ =	shalt  }
0x5a: {  	_ =	shalt  }
0x5b: {  	_ =	shalt  }
0x5c: {  	_ =	shalt  }
0x5d: {  	_ =	shalt  }
0x5e: {  	_ =	shalt  }
0x5f: {  	_ =	shalt  }
0x60: {  	_ =	shalt  }
0x61: {  	_ =	shalt  }
0x62: {  	_ =	shalt  }
0x63: {  	_ =	shalt  }
0x64: {  	_ =	shalt  }
0x65: {  	_ =	shalt  }
0x66: {  	_ =	shalt  }
0x67: {  	_ =	shalt  }
0x68: {  	_ =	shalt  }
0x69: {  	_ =	shalt  }
0x6a: {  	_ =	shalt  }
0x6b: {  	_ =	shalt  }
0x6c: {  	_ =	shalt  }
0x6d: {  	_ =	shalt  }
0x6e: {  	_ =	shalt  }
0x6f: {  	_ =	shalt  }
0x70: {  	_ =	shalt  }
0x71: {  	_ =	shalt  }
0x72: {  	_ =	shalt  }
0x73: {  	_ =	shalt  }
0x74: {  	_ =	shalt  }
0x75: {  	_ =	shalt  }
0x76: {  	_ =	shalt  }
0x77: {  	_ =	shalt  }
0x78: {  	_ =	shalt  }
0x79: {  	_ =	shalt  }
0x7a: {  	_ =	shalt  }
0x7b: {  	_ =	shalt  }
0x7c: {  	_ =	shalt  }
0x7d: {  	_ =	shalt  }
0x7e: {  	_ =	shalt  }
0x7f: {  	_ =	shalt  }
0x80: {  	_ =	shalt  }
0x81: {  	_ =	shalt  }
0x82: {  	_ =	shalt  }
0x83: {  	_ =	shalt  }
0x84: {  	_ =	shalt  }
0x85: {  	_ =	shalt  }
0x86: {  	_ =	shalt  }
0x87: {  	_ =	shalt  }
.Lfunc_end0:
.L_simem_size_0:
called_computation.1_lowered:
.L_overlay_start_0:
0x88: {  	s2 =	sld [smem:$0x3FD9]  }
0x89: {  	s3 =	sld [smem:$0x3FFE];
	_ =	sdelay $0x1  }
0x8a: {  	s1 =	srdreg.scid  }
0x8b: {  	s0 =	sand.u32 $0x1, s1  }
0x8c: {  	s17 =	sshll.u32 s0, $0xA;
	s2 =	sadd.s32 s3, s2  }
0x8d: {  	s2 =	sadd.s32 s2, s17  }
0x8e: {  	[smem:$0x3FC6] =	sst s2  }
0x8f: {  	_ = 	snop  }
0x90: {  	s2 =	sld [smem:$0x3FD0];
	(tm) =	ssettm $0x1  }
0x91: {  	s18 =	sld [smem:$0x3FFB];
	_ =	sdelay $0x3  }
0x92: {  	_ =	strace s18  }
0x93: {  	s3 =	sld [smem:$0x3FFC];
	_ =	sdelay $0x3  }
0x94: {  	_ =	strace s3  }
0x95: {  	s3 =	sld [smem:$0x3FFD];
	_ =	sdelay $0x3  }
0x96: {  	_ =	strace s3  }
0x97: {  	_ =	strace $0x8FFFFFFF  }
0x98: {  	s19 =	sld [smem:$0x3FDB];
	_ =	sdelay $0x1  }
0x99: {  	s4 =	simm.s32 $_scs_section_size  }
0x9a: {  	s5 =	simm.s32 $_size__tile_overlayer_lowered;
	s6 =	simm.s32 $_tile_overlayer_lowered  }
0x9b: {  	s22 =	simm.s32 $0x1BFF;
	s21 =	sshll.u32 s6, $0x1;
	s3 =	sadd.s32 s4, s19  }
0x9c: {  	s7 =	simm.s32 $0x0;
	s20 =	sshll.u32 s5, $0x1;
	s5 =	sadd.s32 s21, s3  }
0x9d: {  	[timem:s7], [sflag:s22] =	dma.local [hbm:s5], s20  }
0x9e: {  	_ =	swait.ge [sflag:s22], s20  }
0x9f: {  	s4 =	ssub.s32 $0x0, s20;
	[sflag:s22] =	ssyncset.done $0x0  }
0xa0: {  	[sflag:s22] =	ssyncadd.s32 s4;
	_ =	sdelay $0x1  }
0xa1: {  	s23 =	simm.s32 $0x1B8B  }
0xa2: {  	_ =	swait.ge [sflag:s23], $0x1  }
0xa3: {  	[sflag:s23] =	ssyncset.done $0x0  }
0xa4: {  	s25 =	simm.s32 $0x1B8E;
	s24 =	sld [smem:$0x3FFE];
	[sflag:s23] =	ssyncadd.s32 $0xFFFFFFFF  }
0xa5: {  	s26 =	simm.s32 $execute0_lowered;
	[smem:$0x3FD2] =	sst s25  }
0xa6: {  	s5 =	sshll.u32 s26, $0x1;
	_ =	strace $0x80000046;
	[dreg:$0x1] =	wrdreg $0xFFFFFFFF  }
0xa7: {  	s28 =	simm.s32 $_size_execute0_lowered;
	s3 =	sadd.s32 s3, s5;
	[dreg:$0x0] =	wrdreg $0x0  }
0xa8: {  	s5 =	sshll.u32 s28, $0x1;
	[dreg:$0x2] =	wrdreg s3  }
0xa9: {  	[dreg:$0x3] =	wrdreg s5  }
0xaa: {  	[dreg:$0x4] =	wrdreg $0xC0  }
0xab: {  	_ =	task [dreg:s7], $0x5FFFF  }
0xac: {  	[dreg:$0x1] =	wrdreg $0xFFFFFFFF  }
0xad: {  	[dreg:$0x0] =	wrdreg $0x60  }
0xae: {  	[dreg:$0x2] =	wrdreg s24  }
0xaf: {  	[dreg:$0x3] =	wrdreg s2  }
0xb0: {  	[dreg:$0x4] =	wrdreg $0x9  }
0xb1: {  	_ =	task.clear_ibuf [dreg:s7], $0x5FFFF;
	_ =	strace $0x90000046  }
0xb2: {  	s29 =	simm.s32 $0x9;
	_ =	strace $0x80000048  }
0xb3: {  	_ =	swait.ge [sflag:s29], $0x1  }
0xb4: {  	[sflag:s29] =	ssyncadd.s32 $0xFFFFFFFF  }
0xb5: {  	_ =	strace $0x90000048  }
0xb6: {  	_ =	sfence  }
0xb7: {  	s30 =	sld [smem:$0x0];
	_ =	sdelay $0x2  }
0xb8: {  	s31 =	sshll.u32 s1, $0xD;
	s1 =	sshrl.u32 s1, $0x2  }
0xb9: {  	s3 =	sand.u32 $0x4000, s31;
	s1 =	sadd.s32 s1, s30  }
0xba: {  	s0 =	sor.u32 s3, s0;
	s1 =	sshll.u32 s1, $0x11  }
0xbb: {  	s0 =	sor.u32 s1, s0  }
0xbc: {  	s0 =	sadd.s32 $0x8F2B, s0  }
0xbd: {  	[sflag:s0] =	ssyncadd.remote.s32 $0x1  }
0xbe: {  	_ =	sfence.sel $0xFFFF  }
0xbf: {  	[dreg:$0x0] =	wrdreg $0xFFFFFFFF;
	(pc) =	sbr.abs _section_cstart, $3  }
0xc0: {  	[dreg:$0x1] =	wrdreg $0xFFFFFFFF  }
0xc1: {  	_ =	task.clear_ibuf [dreg:s7], $0x2FFFF;
	_ =	strace $0x9FFFFFFF  }
0xc2: {  	(tm) =	ssettm $0x7FFFFFFF  }
0xc3: {  	_ =	shalt  }
tec
execute0_lowered:
.L_overlay_start_1:
0x0: {  	(tag) =	ssettag $0x1  }
0x1: {  	s0 =	rddreg [dreg:$0x0]  }
0x2: {  	s1 =	srdreg.scid;
	s10 =	stileid.u32  }
0x3: {  	s2 =	rddreg [dreg:$0x1];
	s3 =	simm.s32 $0x0;
	s28 =	simm.s32 $0x3  }
0x4: {  	s29 =	simm.s32 $0xCE40;
	s30 =	simm.s32 $0x4;
	s31 =	simm.s32 $0x13240  }
0x5: {  	s1 =	sand.u32 $0x1, s1;
	s4 =	sshll.u32 s10, $0x1;
	s7 =	smul.u32 $0xC800, s10  }
0x6: {  	[smem:$0x7FF] =	sst s3;
	s5 =	sadd.s32 $0xF42E00, s0;
	s23 =	smul.u32 $0x64000, s10  }
0x7: {  	s4 =	sor.u32 s1, s4;
	s8 =	ssub.s32 $0x2, s1;
	s9 =	smul.u32 $0x6400, s1  }
0x8: {  	_ =	strace $0x80000047;
	s6 =	smul.u32 $0x6400, s4;
	s13 =	sshrl.u32 s8, $0x1  }
0x9: {  	s1 =	smul.u32 $0x32000, s1;
	s4 =	sadd.s32 $0xA00, s0;
	s0 =	ssub.s32 s8, s13  }
0xa: {  	s15 =	sadd.s32 s9, s7;
	s9 =	simm.s32 $0x0;
	s6 =	sshrl.u32 s6, $0x3  }
0xb: {  	s18 =	sadd.s32 $0xAF0, s15;
	s19 =	sadd.s32 $0x960, s15;
	s0 =	smax.u32 s0, $0x1  }
0xc: {  	s22 =	sadd.s32 $0x7D0, s15;
	s24 =	sshll.u32 s15, $0x3;
	s25 =	sadd.s32 $0x640, s15  }
0xd: {  	s15 =	sadd.s32 s1, s23;
	s23 =	simm.s32 $0x1;
	s1 =	simm.s32 $0x5  }
0xe: {  	s14 =	sadd.s32 s4, s6;
	s7 =	sshrl.u32 s18, $0x3;
	[dreg:$0x7] =	wrdreg s0  }
0xf: {  	s21 =	sshrl.u32 s19, $0x3;
	[dreg:$0xb] =	wrdreg s25;
	s26 =	sadd.s32 s24, s2  }
0x10: {  	s19 =	sadd.s32 s2, s15;
	s16 =	sadd.s32 $0x32, s14;
	[dreg:$0x3] =	wrdreg s14  }
0x11: {  	s24 =	simm.s32 $0x640;
	s17 =	sadd.s32 $0x64, s14;
	[dreg:$0x4] =	wrdreg s16  }
0x12: {  	s25 =	simm.s32 $0x2;
	s8 =	sadd.s32 $0x96, s14;
	[dreg:$0x5] =	wrdreg s17  }
0x13: {  	s20 =	sadd.s32 s7, s4;
	s0 =	sadd.s32 s21, s4;
	[dreg:$0x6] =	wrdreg s8  }
.Ltmp0:
0x14: {  	s18 =	sadd.s32 $0xC80, s26;
	[dreg:$0x8] =	wrdreg s20;
	(pc) =	sbr.rel .LBB2_1-.Ltmp0, $4  }
0x15: {  	s21 =	simm.s32 $0x320;
	s7 =	simm.s32 $0x8;
	[dreg:$0x9] =	wrdreg s0  }
0x16: {  	s0 =	sshrl.u32 s22, $0x3;
	s16 =	sadd.s32 $0x2580, s26;
	s17 =	sadd.s32 $0x1900, s26  }
0x17: {  	s20 =	simm.s32 $0x190;
	s22 =	simm.s32 $0x4B0;
	s0 =	sadd.s32 s0, s4  }
0x18: {  	s26 =	simm.s32 $0x6A40;
	[dreg:$0xa] =	wrdreg s0;
	s0 =	simm.s32 $0x7  }
.LBB2_4:
0x19: {  	s6 =	sadd.s32 s6, s15  }
0x1a: {  	_ =	swait.ge [sflag:s7], $0x6400;
	s6 =	sadd.s32 $0x2580, s6  }
0x1b: {  	[sflag:s7] =	ssyncset.done $0x0;
	s6 =	sand.u32 $0x1FFFF380, s6  }
0x1c: {  	s11 =	simm.s32 $0x9;
	[sflag:s7] =	ssyncadd.s32 $0xFFFF9C00;
	s6 =	sadd.s32 s2, s6  }
0x1d: {  	[hbm4b:s6+s3] =	stream.linear.scatter [tilespmem:s31], [sflag:$0xC], $0x6400, $0x38;
	[tilespmem:$0x19640] =	vst v63  }
0x1e: {  	_ =	swait.ge [sflag:s11], $0x6400  }
0x1f: {  	[sflag:s11] =	ssyncset.done $0x0  }
0x20: {  	s12 =	simm.s32 $0xA;
	[sflag:s11] =	ssyncadd.s32 $0xFFFF9C00  }
0x21: {  	_ =	swait.ge [sflag:s12], $0x6400  }
0x22: {  	[sflag:s12] =	ssyncset.done $0x0  }
0x23: {  	s13 =	simm.s32 $0xB;
	[sflag:s12] =	ssyncadd.s32 $0xFFFF9C00  }
0x24: {  	_ =	swait.ge [sflag:s13], $0x6400  }
0x25: {  	[sflag:s13] =	ssyncset.done $0x0  }
0x26: {  	s8 =	simm.s32 $0xC;
	[sflag:s13] =	ssyncadd.s32 $0xFFFF9C00  }
0x27: {  	_ =	swait.ge [sflag:s8], $0x6400  }
0x28: {  	s9 =	rddreg [dreg:$0xc]  }
0x29: {  	s14 =	rddreg [dreg:$0x7];
	s9 =	sadd.s32 $0x1, s9  }
0x2a: {  	p0 =	sne.s32 s9, s14  }
.Ltmp1:
0x2b: {  	_ = 	snop;
	(pc) =	sbr.rel @!p0 .LBB2_5-.Ltmp1, $3  }
0x2c: {  	_ =	sdelay $0x1  }
0x2d: {  	[sflag:s8] =	ssyncset.done $0x0  }
0x2e: {  	[sflag:s8] =	ssyncadd.s32 $0xFFFF9C00  }
.LBB2_1:
0x2f: {  	[dreg:$0xc] =	wrdreg s9  }
0x30: {  	s6 =	rddreg [dreg:$0x3]  }
0x31: {  	s12 =	rddreg [dreg:$0x4]  }
0x32: {  	s13 =	rddreg [dreg:$0x5]  }
0x33: {  	s14 =	rddreg [dreg:$0x6]  }
0x34: {  	[tilespmem:s3], [sflag:$0x1] =	stream.linear.gather [hbm4b:s6+s3], $0x190, $0x38;
	[tilespmem:$0x19640] =	vst v63  }
0x35: {  	s8 =	rddreg [dreg:$0x9]  }
0x36: {  	[tilespmem:s20], [sflag:$0x2] =	stream.linear.gather [hbm4b:s12+s3], $0x190, $0x38;
	[tilespmem:$0x19640] =	vst v63  }
0x37: {  	s9 =	rddreg [dreg:$0x8]  }
0x38: {  	[tilespmem:s21], [sflag:$0x3] =	stream.linear.gather [hbm4b:s13+s3], $0x190, $0x38;
	[tilespmem:$0x19640] =	vst v63  }
0x39: {  	s13 =	rddreg [dreg:$0xa]  }
0x3a: {  	[tilespmem:s22], [sflag:$0x4] =	stream.linear.gather [hbm4b:s14+s3], $0x190, $0x38;
	[tilespmem:$0x19640] =	vst v63  }
0x3b: {  	s6 =	simm.s32 $0x0;
	s14 =	rddreg [dreg:$0xb]  }
.LBB2_2:
0x3c: {  	_ =	swait.ge [sflag:s23], $0x190  }
0x3d: {  	p0 =	seq.s32 s6, $0x0;
	[sflag:s23] =	ssyncset.done $0x0  }
0x3e: {  	s10 =	simm.s32 @!p0 $0x9;
	[sflag:s23] =	ssyncadd.s32 $0xFFFFFE70  }
0x3f: {  	_ =	swait.ge @!p0 [sflag:s10], $0x6400  }
0x40: {  	[sflag:s10] =	ssyncset.done @!p0 $0x0  }
0x41: {  	[sflag:s10] =	ssyncadd.s32 @!p0 $0xFFFF9C00  }
0x42: {  	[tilespmem:s24], [sflag:$0x5] =	stream.indirect.gather [hbm4b:s5+s20], $0x40, s3, s20, $0xb8;
	[tilespmem:$0x19640] =	vst v63  }
0x43: {  	_ =	swait.ge [sflag:s25], $0x190  }
0x44: {  	[sflag:s25] =	ssyncset.done $0x0  }
0x45: {  	s10 =	simm.s32 @!p0 $0xA;
	[sflag:s25] =	ssyncadd.s32 $0xFFFFFE70  }
0x46: {  	_ =	swait.ge @!p0 [sflag:s10], $0x6400  }
0x47: {  	[sflag:s10] =	ssyncset.done @!p0 $0x0  }
0x48: {  	[sflag:s10] =	ssyncadd.s32 @!p0 $0xFFFF9C00  }
0x49: {  	[tilespmem:s26], [sflag:$0x6] =	stream.indirect.gather [hbm4b:s5+s20], $0x40, s20, s20, $0xb8;
	[tilespmem:$0x19640] =	vst v63  }
0x4a: {  	_ =	swait.ge [sflag:s28], $0x190  }
0x4b: {  	[sflag:s28] =	ssyncset.done $0x0  }
0x4c: {  	s10 =	simm.s32 @!p0 $0xB;
	[sflag:s28] =	ssyncadd.s32 $0xFFFFFE70  }
0x4d: {  	_ =	swait.ge @!p0 [sflag:s10], $0x6400  }
0x4e: {  	[sflag:s10] =	ssyncset.done @!p0 $0x0  }
0x4f: {  	[sflag:s10] =	ssyncadd.s32 @!p0 $0xFFFF9C00  }
0x50: {  	[tilespmem:s29], [sflag:$0x7] =	stream.indirect.gather [hbm4b:s5+s20], $0x40, s21, s20, $0xb8;
	[tilespmem:$0x19640] =	vst v63  }
0x51: {  	_ =	swait.ge [sflag:s30], $0x190  }
0x52: {  	[sflag:s30] =	ssyncset.done $0x0  }
0x53: {  	s10 =	simm.s32 @!p0 $0xC;
	[sflag:s30] =	ssyncadd.s32 $0xFFFFFE70  }
0x54: {  	_ =	swait.ge @!p0 [sflag:s10], $0x6400  }
0x55: {  	[sflag:s10] =	ssyncset.done @!p0 $0x0  }
0x56: {  	[sflag:s10] =	ssyncadd.s32 @!p0 $0xFFFF9C00  }
0x57: {  	[tilespmem:s31], [sflag:$0x8] =	stream.indirect.gather [hbm4b:s5+s20], $0x40, s22, s20, $0xb8;
	[tilespmem:$0x19640] =	vst v63  }
0x58: {  	_ =	swait.ge [sflag:s1], $0x6400  }
0x59: {  	p0 =	seq.s32 s6, $0x2EE00;
	[sflag:s1] =	ssyncset.done $0x0  }
0x5a: {  	s11 =	sadd.s32 s6, s19;
	s10 =	simm.s32 @p0 $0x6;
	[sflag:s1] =	ssyncadd.s32 $0xFFFF9C00  }
0x5b: {  	[hbm4b:s11+s3] =	stream.linear.scatter [tilespmem:s24], [sflag:$0x9], $0x6400, $0x38;
	[tilespmem:$0x19640] =	vst v63  }
0x5c: {  	s11 =	sadd.s32 @p0 s6, s15;
	_ =	swait.ge @p0 [sflag:s10], $0x6400  }
0x5d: {  	s11 =	sadd.s32 @p0 $0xC80, s11;
	[sflag:s10] =	ssyncset.done @p0 $0x0  }
0x5e: {  	[sflag:s10] =	ssyncadd.s32 @p0 $0xFFFF9C00;
	s10 =	sand.u32 @p0 $0x1FFFFA80, s11  }
0x5f: {  	s12 =	simm.s32 @p0 $0x6A40;
	s11 =	simm.s32 @p0 $0x0;
	s10 =	sadd.s32 @p0 s2, s10  }
0x60: {  	[hbm4b:s10+s11] =	stream.linear.scatter @p0 [tilespmem:s12], [sflag:$0xA], $0x6400, $0x38;
	[tilespmem:$0x19640] =	vst v63  }
0x61: {  	s10 =	sshrl.u32 @!p0 s14, $0x3  }
0x62: {  	s11 =	simm.s32 @!p0 $0x0;
	s10 =	sadd.s32 @!p0 s4, s10  }
0x63: {  	[tilespmem:s11], [sflag:$0x1] =	stream.linear.gather @!p0 [hbm4b:s10+s11], $0x190, $0x38;
	[tilespmem:$0x19640] =	vst v63  }
0x64: {  	s10 =	simm.s32 @!p0 $0x6  }
0x65: {  	_ =	swait.ge @!p0 [sflag:s10], $0x6400  }
0x66: {  	[sflag:s10] =	ssyncset.done @!p0 $0x0  }
0x67: {  	s12 =	simm.s32 @!p0 $0x6A40;
	[sflag:s10] =	ssyncadd.s32 @!p0 $0xFFFF9C00;
	s10 =	sadd.s32 @!p0 s6, s18  }
0x68: {  	[hbm4b:s10+s11] =	stream.linear.scatter @!p0 [tilespmem:s12], [sflag:$0xA], $0x6400, $0x38;
	[tilespmem:$0x19640] =	vst v63  }
0x69: {  	s10 =	simm.s32 @!p0 $0x190  }
0x6a: {  	[tilespmem:s10], [sflag:$0x2] =	stream.linear.gather @!p0 [hbm4b:s13+s11], $0x190, $0x38;
	[tilespmem:$0x19640] =	vst v63  }
.Ltmp2:
0x6b: {  	_ = 	snop;
	(pc) =	sbr.rel @p0 .LBB2_4-.Ltmp2, $4  }
0x6c: {  	_ =	swait.ge [sflag:s0], $0x6400  }
0x6d: {  	[sflag:s0] =	ssyncset.done $0x0  }
0x6e: {  	s12 =	sadd.s32 s6, s17;
	[sflag:s0] =	ssyncadd.s32 $0xFFFF9C00  }
0x6f: {  	[hbm4b:s12+s3] =	stream.linear.scatter [tilespmem:s29], [sflag:$0xB], $0x6400, $0x38;
	[tilespmem:$0x19640] =	vst v63  }
0x70: {  	[tilespmem:s21], [sflag:$0x3] =	stream.linear.gather [hbm4b:s8+s3], $0x190, $0x38;
	[tilespmem:$0x19640] =	vst v63  }
0x71: {  	_ =	swait.ge [sflag:s7], $0x6400  }
0x72: {  	[sflag:s7] =	ssyncset.done $0x0  }
.Ltmp3:
0x73: {  	s10 =	sadd.s32 s6, s16;
	[sflag:s7] =	ssyncadd.s32 $0xFFFF9C00;
	(pc) =	sbr.rel .LBB2_2-.Ltmp3, $4  }
0x74: {  	[hbm4b:s10+s3] =	stream.linear.scatter [tilespmem:s31], [sflag:$0xC], $0x6400, $0x38;
	[tilespmem:$0x19640] =	vst v63  }
0x75: {  	s8 =	sadd.s32 $0xC8, s8;
	s13 =	sadd.s32 $0xC8, s13  }
0x76: {  	[tilespmem:s22], [sflag:$0x4] =	stream.linear.gather [hbm4b:s9+s3], $0x190, $0x38;
	[tilespmem:$0x19640] =	vst v63  }
0x77: {  	s14 =	sadd.s32 $0x640, s14;
	s6 =	sadd.s32 $0x3200, s6;
	s9 =	sadd.s32 $0xC8, s9  }
.LBB2_5:
0x78: {  	_ =	sfence.sel $0x180000  }
0x79: {  	[bflag:$0x0] =	sbarrier.arrive $0xFFFF  }
0x7a: {  	_ =	strace $0x90000047  }
0x7b: {  	s0 =	stileid.u32;
	[bflag:$0x2] =	sbarrier.arrive $0xFFFF  }
0x7c: {  	p0 =	sne.s32 s0, $0x0;
	s0 =	rddreg [dreg:$0x2]  }
0x7d: {  	s0 =	sadd.s32 @!p0 $0x100000, s0  }
0x7e: {  	[sflag:s0] =	ssyncadd.tile.s32 @!p0 $0x1;
	_ =	shalt  }
.Lfunc_end2:
_tile_overlayer_lowered:
.L_overlay_start_2:
0x7f: {  	(tag) =	ssettag $0x2  }
0x80: {  	s0 =	rddreg [dreg:$0x0];
	s2 =	stileid.u32  }
0x81: {  	s1 =	rddreg [dreg:$0x1];
	p0 =	sne.s32 s2, $0x0  }
0x82: {  	s3 =	rddreg [dreg:$0x2];
	[bflag:$0x3] =	sbarrier.arrive $0xFFFF;
	s2 =	simm.s32 @!p0 $0x1C0D  }
0x83: {  	[timem:s3], [sflag:s2] =	dma.local @!p0 [hbm:s0], s1  }
0x84: {  	s0 =	simm.s32 @!p0 $0xD  }
0x85: {  	_ =	swait.ge @!p0 [sflag:s0], s1  }
0x86: {  	s1 =	ssub.s32 @!p0 $0x0, s1;
	[sflag:s0] =	ssyncset.done @!p0 $0x0  }
0x87: {  	[sflag:s0] =	ssyncadd.s32 @!p0 s1  }
0x88: {  	[bflag:$0x3] =	sbarrier.arrive $0xFFFF  }
0x89: {  	_ =	shalt  }

// kernel: sparse-core-data-format-call.cloned.1.call-start
scs
called_computation_lowered:
.L_overlay_start_0:
0x0: {  	s2 =	sld [smem:$0x3FD9]  }
0x1: {  	s3 =	sld [smem:$0x3FFE];
	_ =	sdelay $0x1  }
0x2: {  	s1 =	srdreg.scid  }
0x3: {  	s0 =	sand.u32 $0x1, s1  }
0x4: {  	s18 =	sshll.u32 s0, $0xA;
	s2 =	sadd.s32 s3, s2  }
0x5: {  	s2 =	sadd.s32 s2, s18  }
0x6: {  	[smem:$0x3FC6] =	sst s2  }
0x7: {  	_ = 	snop  }
0x8: {  	s2 =	sld [smem:$0x3FD0];
	(tm) =	ssettm $0x1  }
0x9: {  	s19 =	sld [smem:$0x3FFB];
	_ =	sdelay $0x3  }
0xa: {  	_ =	strace s19  }
0xb: {  	s3 =	sld [smem:$0x3FFC];
	_ =	sdelay $0x3  }
0xc: {  	_ =	strace s3  }
0xd: {  	s3 =	sld [smem:$0x3FFD];
	_ =	sdelay $0x3  }
0xe: {  	_ =	strace s3  }
0xf: {  	_ =	strace $0x8FFFFFFF  }
0x10: {  	s20 =	sld [smem:$0x3FDB];
	_ =	sdelay $0x1  }
0x11: {  	s4 =	simm.s32 $_scs_section_size  }
0x12: {  	s5 =	simm.s32 $_size__tile_overlayer_lowered;
	s6 =	simm.s32 $_tile_overlayer_lowered  }
0x13: {  	s23 =	simm.s32 $0x1BFF;
	s22 =	sshll.u32 s6, $0x1;
	s3 =	sadd.s32 s4, s20  }
0x14: {  	s7 =	simm.s32 $0x0;
	s21 =	sshll.u32 s5, $0x1;
	s5 =	sadd.s32 s22, s3  }
0x15: {  	[timem:s7], [sflag:s23] =	dma.local [hbm:s5], s21  }
0x16: {  	_ =	swait.ge [sflag:s23], s21  }
0x17: {  	s4 =	ssub.s32 $0x0, s21;
	[sflag:s23] =	ssyncset.done $0x0  }
0x18: {  	[sflag:s23] =	ssyncadd.s32 s4;
	_ =	sdelay $0x1  }
0x19: {  	s24 =	simm.s32 $0x1B8B  }
0x1a: {  	_ =	swait.ge [sflag:s24], $0x1  }
0x1b: {  	[sflag:s24] =	ssyncset.done $0x0  }
0x1c: {  	s26 =	simm.s32 $0x1B8E;
	s25 =	sld [smem:$0x3FFE];
	[sflag:s24] =	ssyncadd.s32 $0xFFFFFFFF  }
0x1d: {  	s27 =	simm.s32 $execute0_lowered;
	[smem:$0x3FD2] =	sst s26  }
0x1e: {  	s5 =	sshll.u32 s27, $0x1;
	_ =	strace $0x80000049;
	[dreg:$0x1] =	wrdreg $0xFFFFFFFF  }
0x1f: {  	s28 =	simm.s32 $_size_execute0_lowered;
	s3 =	sadd.s32 s3, s5;
	[dreg:$0x0] =	wrdreg $0x0  }
0x20: {  	s5 =	sshll.u32 s28, $0x1;
	[dreg:$0x2] =	wrdreg s3  }
0x21: {  	[dreg:$0x3] =	wrdreg s5  }
0x22: {  	[dreg:$0x4] =	wrdreg $0xC0  }
0x23: {  	_ =	task [dreg:s7], $0x5FFFF  }
0x24: {  	[dreg:$0x1] =	wrdreg $0xFFFFFFFF  }
0x25: {  	[dreg:$0x0] =	wrdreg $0x60  }
0x26: {  	[dreg:$0x2] =	wrdreg s25  }
0x27: {  	[dreg:$0x3] =	wrdreg s2  }
0x28: {  	[dreg:$0x4] =	wrdreg $0x9  }
0x29: {  	_ =	task.clear_ibuf [dreg:s7], $0x5FFFF;
	_ =	strace $0x90000049  }
0x2a: {  	s29 =	simm.s32 $0x9;
	_ =	strace $0x8000004B  }
0x2b: {  	_ =	swait.ge [sflag:s29], $0x1  }
0x2c: {  	[sflag:s29] =	ssyncadd.s32 $0xFFFFFFFF  }
0x2d: {  	_ =	strace $0x9000004B  }
0x2e: {  	_ =	sfence  }
0x2f: {  	s30 =	sld [smem:$0x0];
	_ =	sdelay $0x2  }
0x30: {  	s31 =	sshll.u32 s1, $0xD;
	s1 =	sshrl.u32 s1, $0x2  }
0x31: {  	s3 =	sand.u32 $0x4000, s31;
	s1 =	sadd.s32 s1, s30  }
0x32: {  	s0 =	sor.u32 s3, s0;
	s1 =	sshll.u32 s1, $0x11  }
0x33: {  	s0 =	sor.u32 s1, s0  }
0x34: {  	s0 =	sadd.s32 $0x8F2B, s0  }
0x35: {  	[sflag:s0] =	ssyncadd.remote.s32 $0x1  }
0x36: {  	_ =	sfence.sel $0xFFFF  }
0x37: {  	[dreg:$0x0] =	wrdreg $0xFFFFFFFF;
	(pc) =	sbr.abs _section_cstart, $3  }
0x38: {  	[dreg:$0x1] =	wrdreg $0xFFFFFFFF  }
0x39: {  	_ =	task.clear_ibuf [dreg:s7], $0x2FFFF;
	_ =	strace $0x9FFFFFFF  }
0x3a: {  	(tm) =	ssettm $0x7FFFFFFF  }
0x3b: {  	_ =	shalt  }
tec
execute0_lowered:
.L_overlay_start_1:
0x0: {  	(tag) =	ssettag $0x1  }
0x1: {  	s0 =	srdreg.scid  }
0x2: {  	s1 =	sshll.u32 s0, $0x4  }
0x3: {  	s0 =	stileid.u32;
	s1 =	sand.u32 $0x10, s1  }
0x4: {  	s1 =	sor.u32 s0, s1  }
0x5: {  	s6 =	rddreg [dreg:$0x0];
	s4 =	simm.s32 $0x1;
	s2 =	sshll.u32 s1, $0x7  }
0x6: {  	s7 =	simm.s32 $0x2;
	s12 =	simm.s32 $0x0;
	s1 =	ssub.s32 $0x4000, s2  }
0x7: {  	s8 =	simm.s32 $0x20000;
	s13 =	simm.s32 $0x0;
	s3 =	sand.u32 $0xF80, s1  }
0x8: {  	s9 =	simm.s32 $0x0;
	s5 =	sshrl.u32 s1, $0xC;
	p0 =	sne.s32 s3, $0x0  }
.Ltmp0:
0x9: {  	s1 =	rddreg [dreg:$0x2];
	s4 =	simm.s32 @!p0 $0x0;
	(pc) =	sbr.rel .LBB1_1-.Ltmp0, $4  }
0xa: {  	s11 =	simm.s32 $0x0;
	s3 =	rddreg [dreg:$0x1];
	s5 =	sadd.s32 s4, s5  }
0xb: {  	_ =	strace $0x8000004A;
	s4 =	simm.s32 $0x1;
	s5 =	smul.u32 $0x32, s5  }
0xc: {  	s6 =	sadd.s32 $0xA00, s6;
	s10 =	smov.u32 s2;
	[sflag:s4] =	ssyncpa.u1 $0x0  }
0xd: {  	p0 =	por $0x0, $0x0;
	[sflag:s7] =	ssyncpa.u1 $0x0;
	s7 =	sor.u32 $0x1, s5  }
.LBB1_4:
0xe: {  	s16 =	sshll.u32 s13, $0x3;
	s17 =	sand.u32 $0x78, s13  }
0xf: {  	s30 =	sand.u32 $0x1F800, s13;
	s12 =	sshll.u32 s12, $0x11;
	s16 =	sand.u32 $0x3C00, s16  }
0x10: {  	[tilespmem:s15+$0x810 ss:$0x81] =	vst.msk $0xffff, v2;
	s31 =	sand.u32 $0x7, s13;
	s16 =	sor.u32 s17, s16;
	s17 =	sadd.s32 s3, s30  }
0x11: {  	[tilespmem:s15+$0x1020 ss:$0x81] =	vst.msk $0xffff, v0;
	s13 =	sshll.u32 s31, $0x12;
	s12 =	sadd.s32 s12, s17;
	s16 =	sshrl.u32 s16, $0x3  }
0x12: {  	[tilespmem:s15+$0x0 ss:$0x81] =	vst.msk $0xffff, v1;
	s13 =	sor.u32 $0x400, s13;
	s12 =	sadd.s32 s16, s12  }
0x13: {  	[hbm4b:s12+s13] =	stream.strided.scatter [tilespmem:s14], [sflag:$0x2], $0x2000, s8, s13, $0x20;
	[tilespmem:$0x8080] =	vst v63  }
.LBB1_5:
0x14: {  	s14 =	sadd.s32 $0x1, s9  }
0x15: {  	s12 =	sadd.s32 $0x1000, s10;
	s16 =	smov.u32 s10;
	p2 =	sgt.s32 s14, $0x31  }
0x16: {  	s16 =	smov.u32 @p2 s12  }
0x17: {  	s14 =	simm.s32 @p2 $0x0;
	p2 =	sgt.s32 s16, $0x3FFF  }
0x18: {  	s16 =	smov.u32 @p2 s2;
	p2 =	sne.s32 s11, s7  }
.Ltmp1:
0x19: {  	p1 =	slt.u32 s11, $0x2;
	(pc) =	sbr.rel @!p2 .LBB1_6-.Ltmp1, $4  }
0x1a: {  	s15 =	simm.s32 @!p1 $0x2  }
0x1b: {  	s13 =	smov.u32 s10;
	p0 =	por !p0, !p0;
	_ =	swait.ge @!p1 [sflag:s15], $0x2000  }
0x1c: {  	s12 =	smov.u32 s9;
	[sflag:s15] =	ssyncset.done @!p1 $0x0;
	s9 =	smov.u32 s14  }
0x1d: {  	s11 =	sadd.s32 $0x1, s11;
	[sflag:s15] =	ssyncadd.s32 @!p1 $0xFFFFE000;
	s10 =	smov.u32 s16  }
.LBB1_1:
0x1e: {  	p1 =	sge.u32 s11, s5  }
0x1f: {  	s14 =	sand.u32 @!p1 $0x1FFFFFF, s9  }
0x20: {  	s15 =	smulhi.u32 @!p1 $0x4924925, s14;
	_ =	sdelay $0x1  }
0x21: {  	s15 =	smul.u32 @!p1 $0x38, s15  }
0x22: {  	s16 =	sxor.u32 @!p1 $0xFFFFFFFF, s11;
	s17 =	smul.u32 @!p1 $0x380, s10  }
0x23: {  	s31 =	sadd.s32 $0xFFFFFFFF, s11;
	s16 =	sshll.u32 @!p1 s16, $0xD;
	s14 =	ssub.s32 @!p1 s14, s15  }
0x24: {  	s15 =	sand.u32 @!p1 $0x2000, s16;
	s16 =	sadd.s32 @!p1 s6, s17;
	s14 =	sshll.u32 @!p1 s14, $0x4  }
0x25: {  	s17 =	simm.s32 @!p1 $0x1C00;
	s14 =	sadd.s32 @!p1 s14, s16;
	s16 =	simm.s32 @!p1 $0x40  }
0x26: {  	[tilespmem:s15], [sflag:$0x1] =	stream.strided.gather @!p1 [hbm4b:s14+s16], $0x2000, s17, s16, $0x38;
	[tilespmem:$0x8080] =	vst v63  }
0x27: {  	p1 =	sge.u32 s31, s5  }
.Ltmp2:
0x28: {  	_ = 	snop;
	(pc) =	sbr.rel @p1 .LBB1_5-.Ltmp2, $1  }
0x29: {  	_ =	sdelay $0x3  }
0x2a: {  	s14 =	simm.s32 $0x1  }
0x2b: {  	_ =	swait.ge [sflag:s4], $0x2000;
	s14 =	simm.s32 @!p0 $0x0  }
0x2c: {  	[sflag:s4] =	ssyncset.done $0x0;
	s15 =	sshll.u32 s14, $0xD  }
0x2d: {  	[sflag:s4] =	ssyncadd.s32 $0xFFFFE000;
	s18 =	sor.u32 $0x20, s15  }
0x2e: {  	s14 =	smul.u32 $0x8100, s14;
	v3 =	vld [tilespmem:s18+$0x10]  }
0x2f: {  	s30 =	sand.u32 $0x1, s11;
	v2 =	vld [tilespmem:s18+$0xFFFFFFF0]  }
0x30: {  	s15 =	smul.u32 $0x8100, s30;
	s14 =	sshrl.u32 s14, $0x2;
	v0 =	vld [tilespmem:s18+$0x0]  }
0x31: {  	v1 =	vld [tilespmem:s18+$0xFFFFFFE0];
	s16 =	sor.u32 $0x4000, s14  }
0x32: {  	s31 =	sshrl.u32 s15, $0x2;
	s15 =	sadd.s32 $0x0, s16  }
0x33: {  	s17 =	simm.s32 $0x4;
	s18 =	sadd.s32 $0x40, s18;
	s14 =	sor.u32 $0x4000, s31;
	[tilespmem:s15+$0x1830 ss:$0x81] =	vst.msk $0xffff, v3  }
.LBB1_3:
0x34: {  	v3 =	vld [tilespmem:s18+$0x10];
	p1 =	sne.s32 s17, $0x1FC;
	[tilespmem:s15+$0x810 ss:$0x81] =	vst.msk $0xffff, v2;
	s19 =	smov.u32 s17;
	s17 =	sadd.s32 $0x4, s17  }
.Ltmp3:
0x35: {  	v2 =	vld [tilespmem:s18+$0xFFFFFFF0];
	[tilespmem:s15+$0x1020 ss:$0x81] =	vst.msk $0xffff, v0;
	(pc) =	sbr.rel @p1 .LBB1_3-.Ltmp3, $4  }
0x36: {  	v0 =	vld [tilespmem:s18+$0x0];
	[tilespmem:s15+$0x0 ss:$0x81] =	vst.msk $0xffff, v1  }
0x37: {  	s15 =	sshra.s32 s19, $0x2;
	v1 =	vld [tilespmem:s18+$0xFFFFFFE0]  }
0x38: {  	s15 =	sadd.s32 s15, s16  }
0x39: {  	s18 =	sadd.s32 $0x40, s18;
	[tilespmem:s15+$0x1830 ss:$0x81] =	vst.msk $0xffff, v3  }
.Ltmp4:
0x3a: {  	_ = 	snop;
	(pc) =	sbr.rel .LBB1_4-.Ltmp4, $1  }
0x3b: {  	_ =	sdelay $0x3  }
.LBB1_6:
0x3c: {  	_ =	sfence.sel $0x180000  }
0x3d: {  	s2 =	simm.s32 $0x1;
	[bflag:$0x0] =	sbarrier.arrive $0xFFFF  }
0x3e: {  	s31 =	simm.s32 $0x2;
	[sflag:s2] =	ssyncpa.u1 $0x1  }
0x3f: {  	[sflag:s31] =	ssyncpa.u1 $0x1  }
0x40: {  	p0 =	sne.s32 s0, $0x0;
	_ =	strace $0x9000004A  }
0x41: {  	s0 =	sadd.s32 @!p0 $0x100000, s1;
	[bflag:$0x2] =	sbarrier.arrive $0xFFFF  }
0x42: {  	[sflag:s0] =	ssyncadd.tile.s32 @!p0 $0x1;
	_ =	shalt  }
.Lfunc_end1:
_tile_overlayer_lowered:
.L_overlay_start_2:
0x43: {  	(tag) =	ssettag $0x2  }
0x44: {  	s0 =	rddreg [dreg:$0x0];
	s2 =	stileid.u32  }
0x45: {  	s1 =	rddreg [dreg:$0x1];
	p0 =	sne.s32 s2, $0x0  }
0x46: {  	s3 =	rddreg [dreg:$0x2];
	[bflag:$0x3] =	sbarrier.arrive $0xFFFF;
	s2 =	simm.s32 @!p0 $0x1C01  }
0x47: {  	[timem:s3], [sflag:s2] =	dma.local @!p0 [hbm:s0], s1  }
0x48: {  	s0 =	simm.s32 @!p0 $0x1  }
0x49: {  	_ =	swait.ge @!p0 [sflag:s0], s1  }
0x4a: {  	s1 =	ssub.s32 @!p0 $0x0, s1;
	[sflag:s0] =	ssyncset.done @!p0 $0x0  }
0x4b: {  	[sflag:s0] =	ssyncadd.s32 @!p0 s1  }
0x4c: {  	[bflag:$0x3] =	sbarrier.arrive $0xFFFF  }
0x4d: {  	_ =	shalt  }

</sc_bundles>
